<compile_context>
chip_gen: v7x
topology: tpu7x:2x2x1
jax: 0.10.2.dev20260603
libtpu: 0.0.44.dev20260713+nightly
codegen_flags: <defaults>
</compile_context>

<pallas_src>
import functools

import jax
import jax.numpy as jnp
from jax import lax
from jax.experimental import pallas as pl
from jax.experimental.pallas import tpu as pltpu
from jax.experimental.pallas import tpu_sc as plsc

_NC = 2
_NS = 16
_NW = _NC * _NS
_L = 16

_SLOTS = 8
_CHUNK = 16
_D = 128


def _round_up(x, m):
    return (x + m - 1) // m * m


def _densify(rows, cols, w, n_pad):
    nnz = rows.shape[0]
    starts = jnp.searchsorted(rows, jnp.arange(n_pad + 1, dtype=rows.dtype))
    s0 = starts[:-1][:, None]
    s1 = starts[1:][:, None]
    j = jnp.arange(_SLOTS, dtype=jnp.int32)[None, :]
    idx = s0 + j
    valid = idx < s1
    idxc = jnp.minimum(idx, nnz - 1)
    dense_c = jnp.where(valid, cols[idxc], 0).astype(jnp.int32)
    dense_w = jnp.where(valid, w[idxc], 0.0).astype(jnp.float32)
    return dense_c.reshape(-1), dense_w.reshape(-1)


def _lane_splat(vec, j):
    idx = jnp.full((_L, 1), j, jnp.int32)
    dn = lax.GatherDimensionNumbers(
        offset_dims=(), collapsed_slice_dims=(0,), start_index_map=(0,)
    )
    return lax.gather(
        vec, idx, dn, slice_sizes=(1,),
        mode=lax.GatherScatterMode.PROMISE_IN_BOUNDS,
    )


def _agg_body(emb_hbm, cidx_hbm, w_hbm, out_hbm, idx_v, w_v, gbuf, obuf, sem):
    npw = out_hbm.shape[0] // _NW
    epw = npw * _SLOTS
    n_chunks = npw // _CHUNK
    wid = lax.axis_index("s") * _NC + lax.axis_index("c")
    ebase = wid * epw

    pltpu.sync_copy(cidx_hbm.at[pl.ds(ebase, epw)], idx_v)
    pltpu.sync_copy(w_hbm.at[pl.ds(ebase, epw)], w_v)

    @pl.loop(0, n_chunks)
    def _chunk(g):
        e0 = g * (_CHUNK * _SLOTS)
        pltpu.async_copy(
            emb_hbm.at[idx_v.at[pl.ds(e0, _CHUNK * _SLOTS)]], gbuf, sem
        ).wait()
        for p in range(0):
            w16 = w_v[pl.ds(e0 + p * 2 * _SLOTS, _L)]
            for half in range(2):
                acc = [jnp.zeros((_L,), jnp.float32) for _ in range(_D // _L)]
                den = jnp.zeros((_L,), jnp.float32)
                for e in range(_SLOTS):
                    ws = _lane_splat(w16, half * _SLOTS + e)
                    den = den + ws
                    r = p * 2 * _SLOTS + half * _SLOTS + e
                    for k in range(_D // _L):
                        acc[k] = acc[k] + ws * gbuf[r, pl.ds(k * _L, _L)]
                inv = 1.0 / jnp.maximum(den, 1e-30)
                row = g * _CHUNK + p * 2 + half
                for k in range(_D // _L):
                    obuf[row, pl.ds(k * _L, _L)] = acc[k] * inv

    pltpu.sync_copy(obuf, out_hbm.at[pl.ds(wid * npw, npw)])


def _aggregate(emb, cidx, wts, n_pad):
    mesh = plsc.VectorSubcoreMesh(core_axis_name="c", subcore_axis_name="s")
    npw = n_pad // _NW
    k = pl.kernel(
        _agg_body,
        out_type=jax.ShapeDtypeStruct((n_pad, _D), jnp.float32),
        mesh=mesh,
        scratch_types=[
            pltpu.VMEM((npw * _SLOTS,), jnp.int32),
            pltpu.VMEM((npw * _SLOTS,), jnp.float32),
            pltpu.VMEM((_CHUNK * _SLOTS, _D), jnp.float32),
            pltpu.VMEM((npw, _D), jnp.float32),
            pltpu.SemaphoreType.DMA,
        ],
    )
    return k(emb, cidx, wts)


def _mm_body(x_ref, nb_ref, wa_ref, wb_ref, o_ref):
    o_ref[...] = jnp.maximum(
        jnp.dot(x_ref[...], wa_ref[...], preferred_element_type=jnp.float32)
        + jnp.dot(nb_ref[...], wb_ref[...], preferred_element_type=jnp.float32),
        0.0,
    )


def _sage_layer_mm(x, nb, wmat):
    n_pad = x.shape[0]
    blk = 512
    grid = (n_pad // blk,)
    wa = wmat[:_D]
    wb = wmat[_D:]
    return pl.pallas_call(
        _mm_body,
        grid=grid,
        in_specs=[
            pl.BlockSpec((blk, _D), lambda i: (i, 0)),
            pl.BlockSpec((blk, _D), lambda i: (i, 0)),
            pl.BlockSpec((_D, _D), lambda i: (0, 0)),
            pl.BlockSpec((_D, _D), lambda i: (0, 0)),
        ],
        out_specs=pl.BlockSpec((blk, _D), lambda i: (i, 0)),
        out_shape=jax.ShapeDtypeStruct((n_pad, _D), jnp.float32),
    )(x, nb, wa, wb)


def kernel(raw_features, W1, W2, w1, w2, rows1, cols1, rows2, cols2):
    x = raw_features[0]
    n = x.shape[0]
    n_pad = _round_up(n, _NW * _CHUNK)

    cidx1, dw1 = _densify(rows1, cols1, w1, n_pad)
    cidx2, dw2 = _densify(rows2, cols2, w2, n_pad)

    xp = jnp.pad(x, ((0, n_pad - n), (0, 0)))
    neib1 = _aggregate(x, cidx1, dw1, n_pad)
    h1 = _sage_layer_mm(xp, neib1, W1)
    neib2 = _aggregate(h1, cidx2, dw2, n_pad)
    h2 = _sage_layer_mm(h1, neib2, W2)
    return h2[:n][None]

# --- scband reference (transcript-rebuilt; emitter-appended) ---
"""Pipeline reference for scband-graph-sage-33285996544609 (READ-ONLY COPY).

The authoritative reference and input builder live on the scoring server;
editing this copy changes nothing except your own understanding.
"""

import jax, jax.numpy as jnp
import numpy as np

N = 10000
DEG = 16
D = 128
H0 = 128
H1 = 128
B = 1
NUM_SAMPLE = 7


def _build_edges():
    rng = np.random.default_rng(0)
    offs = rng.integers(1, N, size=(N, DEG))
    adj = (np.arange(N)[:, None] + offs) % N  # neighbors, never self
    p = rng.random((N, DEG)).astype(np.float64)
    p /= p.sum(1, keepdims=True)
    prob_lookup = [dict(zip(adj[i].tolist(), p[i].tolist())) for i in range(N)]

    def sample_layer():
        rows, cols, w = [], [], []
        for node in range(N):
            chosen = rng.choice(adj[node], NUM_SAMPLE, p=p[node], replace=False)
            s = set(int(c) for c in chosen)
            s.discard(node)  # self excluded from neighbor aggregation (self_include=False)
            for nb in sorted(s):
                rows.append(node)
                cols.append(nb)
                w.append(prob_lookup[node][nb])
        return (np.array(rows, np.int32), np.array(cols, np.int32), np.array(w, np.float32))

    # Original forward builds hops outside-in: first get_neib result is consumed by
    # the SECOND aggregation (loop index=2), second get_neib by the FIRST (index=1).
    r_a, c_a, w_a = sample_layer()  # hop built first -> used in layer-2 aggregation
    r_b, c_b, w_b = sample_layer()  # hop built second -> used in layer-1 aggregation
    # Since every node includes itself in its sampled set, unique_nodes_list == sorted
    # range(N) at every hop, so dic maps are identity and no column re-indexing is needed.
    return (r_b, c_b, w_b), (r_a, c_a, w_a)


def setup_inputs(seed: int = 0) -> dict:
    key = jax.random.key(seed)
    k1, k2, k3 = jax.random.split(key, 3)
    (r1, c1, w1), (r2, c2, w2) = _build_edges()
    lim1 = float(np.sqrt(6.0 / (2 * D + H0)))
    lim2 = float(np.sqrt(6.0 / (2 * H0 + H1)))
    raw_features = jax.random.normal(k1, (B, N, D), dtype=jnp.float32)
    W1 = jax.random.uniform(k2, (2 * D, H0), jnp.float32, -lim1, lim1)
    W2 = jax.random.uniform(k3, (2 * H0, H1), jnp.float32, -lim2, lim2)
    return {
        "raw_features": raw_features,
        "W1": W1,
        "W2": W2,
        "w1": jnp.asarray(w1),
        "w2": jnp.asarray(w2),
        "rows1": jnp.asarray(r1),
        "cols1": jnp.asarray(c1),
        "rows2": jnp.asarray(r2),
        "cols2": jnp.asarray(c2),
    }


def _weighted_mean_agg(emb, rows, cols, w):
    # Equivalent to: mask[rows, cols] = w; mask = mask / mask.sum(1, keepdim); mask @ emb
    Bn, Nn, dd = emb.shape
    gathered = emb[:, cols, :] * w[None, :, None]
    num = jnp.zeros((Bn, Nn, dd), emb.dtype).at[:, rows, :].add(gathered)
    den = jnp.zeros((Nn,), emb.dtype).at[rows].add(w)
    return num / den[None, :, None]


def reference(raw_features, W1, W2, w1, w2, rows1, cols1, rows2, cols2):
    # Layer 1: aggregate sampled neighbors of each node from raw features,
    # concat with self raw features, linear, relu (dropout p=0 -> no-op).
    neib1 = _weighted_mean_agg(raw_features, rows1, cols1, w1)
    h1 = jax.nn.relu(jnp.concatenate([raw_features, neib1], axis=2) @ W1)
    # Layer 2: same pattern on hidden embeddings (node_map/dic are identity here).
    neib2 = _weighted_mean_agg(h1, rows2, cols2, w2)
    h2 = jax.nn.relu(jnp.concatenate([h1, neib2], axis=2) @ W2)
    return h2

if __name__ == "__main__":
    import jax
    _d = setup_inputs()
    print(jax.jit(kernel)(*tuple(_d.values())))

</pallas_src>

<mosaic_0001>
#map = affine_map<(d0, d1) -> (0, 0)>
#map1 = affine_map<(d0, d1) -> (0)>
module attributes {stable_mosaic.version = 14 : i64} {
  func.func @_agg_body(%arg0: i32, %arg1: i32, %arg2: memref<10240x128xf32, #tpu.memory_space<hbm>>, %arg3: memref<81920xi32, #tpu.memory_space<hbm>>, %arg4: memref<81920xf32, #tpu.memory_space<hbm>>, %arg5: memref<10240x128xf32, #tpu.memory_space<hbm>>, %arg6: memref<2560xi32, #tpu.memory_space<vmem>>, %arg7: memref<2560xf32, #tpu.memory_space<vmem>>, %arg8: memref<128x128xf32, #tpu.memory_space<vmem>>, %arg9: memref<320x128xf32, #tpu.memory_space<vmem>>, %arg10: memref<!tpu.dma_semaphore, #tpu.memory_space<semaphore_mem>>) attributes {dimension_semantics = [#tpu.dimension_semantics<core_parallel>, #tpu.dimension_semantics<subcore_parallel>], iteration_bounds = array<i64: 2, 16>, scalar_prefetch = 0 : i64, scratch_operands = 5 : i64, tpu.core_type = #tpu.core_type<sc_vector_subcore>, window_params = [{transform_indices = #map}, {transform_indices = #map1}, {transform_indices = #map1}, {transform_indices = #map}]} {
    %mul3A = arith.constant 2 : i32
    %mul3A_0 = arith.muli %arg1, %mul3A : i32
    %add3A = arith.addi %mul3A_0, %arg0 : i32
    %mul3A_1 = arith.constant 2560 : i32
    %mul3A_2 = arith.muli %add3A, %mul3A_1 : i32
    "tpu.region"() ({
      %run_scoped3A = tpu.sem_alloc : memref<!tpu.dma_semaphore, #tpu.memory_space<semaphore_mem>>
      %dma_start3A = tpu.memref_slice %arg3[%mul3A_2] : memref<81920xi32, #tpu.memory_space<hbm>> -> memref<2560xi32, #tpu.memory_space<hbm>>
      %dma_start3A_9 = tpu.memref_slice %arg3[%mul3A_2] : memref<81920xi32, #tpu.memory_space<hbm>> -> memref<2560xi32, #tpu.memory_space<hbm>>
      tpu.enqueue_dma source(%dma_start3A_9 : memref<2560xi32, #tpu.memory_space<hbm>>) target(%arg6 : memref<2560xi32, #tpu.memory_space<vmem>>) target_semaphore(%run_scoped3A : memref<!tpu.dma_semaphore, #tpu.memory_space<semaphore_mem>>)
      %dma_wait3A = tpu.memref_slice %arg3[%mul3A_2] : memref<81920xi32, #tpu.memory_space<hbm>> -> memref<2560xi32, #tpu.memory_space<hbm>>
      %dma_wait3A_10 = tpu.memref_slice %arg3[%mul3A_2] : memref<81920xi32, #tpu.memory_space<hbm>> -> memref<2560xi32, #tpu.memory_space<hbm>>
      tpu.wait_dma2 semaphore(%run_scoped3A : memref<!tpu.dma_semaphore, #tpu.memory_space<semaphore_mem>>) src(%dma_wait3A_10 : memref<2560xi32, #tpu.memory_space<hbm>>) dst(%arg6 : memref<2560xi32, #tpu.memory_space<vmem>>)
      tpu.yield
    }) : () -> ()
    "tpu.region"() ({
      %run_scoped3A = tpu.sem_alloc : memref<!tpu.dma_semaphore, #tpu.memory_space<semaphore_mem>>
      %dma_start3A = tpu.memref_slice %arg4[%mul3A_2] : memref<81920xf32, #tpu.memory_space<hbm>> -> memref<2560xf32, #tpu.memory_space<hbm>>
      %dma_start3A_9 = tpu.memref_slice %arg4[%mul3A_2] : memref<81920xf32, #tpu.memory_space<hbm>> -> memref<2560xf32, #tpu.memory_space<hbm>>
      tpu.enqueue_dma source(%dma_start3A_9 : memref<2560xf32, #tpu.memory_space<hbm>>) target(%arg7 : memref<2560xf32, #tpu.memory_space<vmem>>) target_semaphore(%run_scoped3A : memref<!tpu.dma_semaphore, #tpu.memory_space<semaphore_mem>>)
      %dma_wait3A = tpu.memref_slice %arg4[%mul3A_2] : memref<81920xf32, #tpu.memory_space<hbm>> -> memref<2560xf32, #tpu.memory_space<hbm>>
      %dma_wait3A_10 = tpu.memref_slice %arg4[%mul3A_2] : memref<81920xf32, #tpu.memory_space<hbm>> -> memref<2560xf32, #tpu.memory_space<hbm>>
      tpu.wait_dma2 semaphore(%run_scoped3A : memref<!tpu.dma_semaphore, #tpu.memory_space<semaphore_mem>>) src(%dma_wait3A_10 : memref<2560xf32, #tpu.memory_space<hbm>>) dst(%arg7 : memref<2560xf32, #tpu.memory_space<vmem>>)
      tpu.yield
    }) : () -> ()
    %scan3A = arith.constant 0 : i32
    %scan3A_3 = arith.constant 20 : i32
    %scan3A_4 = arith.addi %scan3A, %scan3A_3 : i32
    %scan3A_5 = arith.constant 1 : i32
    scf.for %scan3A_9 = %scan3A to %scan3A_4 step %scan3A_5  : i32 {
      %mul3A_10 = arith.constant 1 : i32
      %mul3A_11 = arith.muli %scan3A_9, %mul3A_10 : i32
      %add3A_12 = arith.constant 0 : i32
      %add3A_13 = arith.addi %add3A_12, %mul3A_11 : i32
      %mul3A_14 = arith.constant 128 : i32
      %mul3A_15 = arith.muli %add3A_13, %mul3A_14 : i32
      %dma_start3A = tpu.memref_slice %arg6[%mul3A_15] : memref<2560xi32, #tpu.memory_space<vmem>> -> memref<128xi32, #tpu.memory_space<vmem>>
      %dma_start3A_16 = arith.constant 0 : i32
      %dma_start3A_17 = arith.constant 0 : i32
      %dma_start3A_18 = tpu.memref_slice %arg2[%dma_start3A_16, %dma_start3A_17] : memref<10240x128xf32, #tpu.memory_space<hbm>> -> memref<10240x128xf32, #tpu.memory_space<hbm>>
      tpu.enqueue_indirect_dma source(%dma_start3A_18 : memref<10240x128xf32, #tpu.memory_space<hbm>>) target(%arg8 : memref<128x128xf32, #tpu.memory_space<vmem>>) offsets(%dma_start3A : memref<128xi32, #tpu.memory_space<vmem>>) semaphore(%arg10 : memref<!tpu.dma_semaphore, #tpu.memory_space<semaphore_mem>>)
      %dma_wait3A = tpu.memref_slice %arg6[%mul3A_15] : memref<2560xi32, #tpu.memory_space<vmem>> -> memref<128xi32, #tpu.memory_space<vmem>>
      %dma_wait3A_19 = arith.constant 0 : i32
      %dma_wait3A_20 = arith.constant 0 : i32
      %dma_wait3A_21 = tpu.memref_slice %arg2[%dma_wait3A_19, %dma_wait3A_20] : memref<10240x128xf32, #tpu.memory_space<hbm>> -> memref<10240x128xf32, #tpu.memory_space<hbm>>
      tpu.wait_indirect_dma semaphore(%arg10 : memref<!tpu.dma_semaphore, #tpu.memory_space<semaphore_mem>>) src(%dma_wait3A_21 : memref<10240x128xf32, #tpu.memory_space<hbm>>) dst(%arg8 : memref<128x128xf32, #tpu.memory_space<vmem>>)
    }
    %scan3A_6 = arith.constant 20 : i32
    %mul3A_7 = arith.constant 320 : i32
    %mul3A_8 = arith.muli %add3A, %mul3A_7 : i32
    "tpu.region"() ({
      %run_scoped3A = tpu.sem_alloc : memref<!tpu.dma_semaphore, #tpu.memory_space<semaphore_mem>>
      %dma_start3A = arith.constant 0 : i32
      %dma_start3A_9 = tpu.memref_slice %arg5[%mul3A_8, %dma_start3A] : memref<10240x128xf32, #tpu.memory_space<hbm>> -> memref<320x128xf32, #tpu.memory_space<hbm>>
      %dma_start3A_10 = arith.constant 0 : i32
      %dma_start3A_11 = tpu.memref_slice %arg5[%mul3A_8, %dma_start3A_10] : memref<10240x128xf32, #tpu.memory_space<hbm>> -> memref<320x128xf32, #tpu.memory_space<hbm>>
      tpu.enqueue_dma source(%arg9 : memref<320x128xf32, #tpu.memory_space<vmem>>) target(%dma_start3A_11 : memref<320x128xf32, #tpu.memory_space<hbm>>) target_semaphore(%run_scoped3A : memref<!tpu.dma_semaphore, #tpu.memory_space<semaphore_mem>>)
      %dma_wait3A = arith.constant 0 : i32
      %dma_wait3A_12 = tpu.memref_slice %arg5[%mul3A_8, %dma_wait3A] : memref<10240x128xf32, #tpu.memory_space<hbm>> -> memref<320x128xf32, #tpu.memory_space<hbm>>
      %dma_wait3A_13 = arith.constant 0 : i32
      %dma_wait3A_14 = tpu.memref_slice %arg5[%mul3A_8, %dma_wait3A_13] : memref<10240x128xf32, #tpu.memory_space<hbm>> -> memref<320x128xf32, #tpu.memory_space<hbm>>
      tpu.wait_dma2 semaphore(%run_scoped3A : memref<!tpu.dma_semaphore, #tpu.memory_space<semaphore_mem>>) src(%arg9 : memref<320x128xf32, #tpu.memory_space<vmem>>) dst(%dma_wait3A_14 : memref<320x128xf32, #tpu.memory_space<hbm>>)
      tpu.yield
    }) : () -> ()
    return
  }
}

#map = affine_map<(d0, d1) -> (0, 0)>
#map1 = affine_map<(d0, d1) -> (0)>
module attributes {stable_mosaic.version = 14 : i64} {
  func.func @_agg_body(%arg0: i32, %arg1: i32, %arg2: memref<10000x128xf32, #tpu.memory_space<hbm>>, %arg3: memref<81920xi32, #tpu.memory_space<hbm>>, %arg4: memref<81920xf32, #tpu.memory_space<hbm>>, %arg5: memref<10240x128xf32, #tpu.memory_space<hbm>>, %arg6: memref<2560xi32, #tpu.memory_space<vmem>>, %arg7: memref<2560xf32, #tpu.memory_space<vmem>>, %arg8: memref<128x128xf32, #tpu.memory_space<vmem>>, %arg9: memref<320x128xf32, #tpu.memory_space<vmem>>, %arg10: memref<!tpu.dma_semaphore, #tpu.memory_space<semaphore_mem>>) attributes {dimension_semantics = [#tpu.dimension_semantics<core_parallel>, #tpu.dimension_semantics<subcore_parallel>], iteration_bounds = array<i64: 2, 16>, scalar_prefetch = 0 : i64, scratch_operands = 5 : i64, tpu.core_type = #tpu.core_type<sc_vector_subcore>, window_params = [{transform_indices = #map}, {transform_indices = #map1}, {transform_indices = #map1}, {transform_indices = #map}]} {
    %mul3A = arith.constant 2 : i32
    %mul3A_0 = arith.muli %arg1, %mul3A : i32
    %add3A = arith.addi %mul3A_0, %arg0 : i32
    %mul3A_1 = arith.constant 2560 : i32
    %mul3A_2 = arith.muli %add3A, %mul3A_1 : i32
    "tpu.region"() ({
      %run_scoped3A = tpu.sem_alloc : memref<!tpu.dma_semaphore, #tpu.memory_space<semaphore_mem>>
      %dma_start3A = tpu.memref_slice %arg3[%mul3A_2] : memref<81920xi32, #tpu.memory_space<hbm>> -> memref<2560xi32, #tpu.memory_space<hbm>>
      %dma_start3A_9 = tpu.memref_slice %arg3[%mul3A_2] : memref<81920xi32, #tpu.memory_space<hbm>> -> memref<2560xi32, #tpu.memory_space<hbm>>
      tpu.enqueue_dma source(%dma_start3A_9 : memref<2560xi32, #tpu.memory_space<hbm>>) target(%arg6 : memref<2560xi32, #tpu.memory_space<vmem>>) target_semaphore(%run_scoped3A : memref<!tpu.dma_semaphore, #tpu.memory_space<semaphore_mem>>)
      %dma_wait3A = tpu.memref_slice %arg3[%mul3A_2] : memref<81920xi32, #tpu.memory_space<hbm>> -> memref<2560xi32, #tpu.memory_space<hbm>>
      %dma_wait3A_10 = tpu.memref_slice %arg3[%mul3A_2] : memref<81920xi32, #tpu.memory_space<hbm>> -> memref<2560xi32, #tpu.memory_space<hbm>>
      tpu.wait_dma2 semaphore(%run_scoped3A : memref<!tpu.dma_semaphore, #tpu.memory_space<semaphore_mem>>) src(%dma_wait3A_10 : memref<2560xi32, #tpu.memory_space<hbm>>) dst(%arg6 : memref<2560xi32, #tpu.memory_space<vmem>>)
      tpu.yield
    }) : () -> ()
    "tpu.region"() ({
      %run_scoped3A = tpu.sem_alloc : memref<!tpu.dma_semaphore, #tpu.memory_space<semaphore_mem>>
      %dma_start3A = tpu.memref_slice %arg4[%mul3A_2] : memref<81920xf32, #tpu.memory_space<hbm>> -> memref<2560xf32, #tpu.memory_space<hbm>>
      %dma_start3A_9 = tpu.memref_slice %arg4[%mul3A_2] : memref<81920xf32, #tpu.memory_space<hbm>> -> memref<2560xf32, #tpu.memory_space<hbm>>
      tpu.enqueue_dma source(%dma_start3A_9 : memref<2560xf32, #tpu.memory_space<hbm>>) target(%arg7 : memref<2560xf32, #tpu.memory_space<vmem>>) target_semaphore(%run_scoped3A : memref<!tpu.dma_semaphore, #tpu.memory_space<semaphore_mem>>)
      %dma_wait3A = tpu.memref_slice %arg4[%mul3A_2] : memref<81920xf32, #tpu.memory_space<hbm>> -> memref<2560xf32, #tpu.memory_space<hbm>>
      %dma_wait3A_10 = tpu.memref_slice %arg4[%mul3A_2] : memref<81920xf32, #tpu.memory_space<hbm>> -> memref<2560xf32, #tpu.memory_space<hbm>>
      tpu.wait_dma2 semaphore(%run_scoped3A : memref<!tpu.dma_semaphore, #tpu.memory_space<semaphore_mem>>) src(%dma_wait3A_10 : memref<2560xf32, #tpu.memory_space<hbm>>) dst(%arg7 : memref<2560xf32, #tpu.memory_space<vmem>>)
      tpu.yield
    }) : () -> ()
    %scan3A = arith.constant 0 : i32
    %scan3A_3 = arith.constant 20 : i32
    %scan3A_4 = arith.addi %scan3A, %scan3A_3 : i32
    %scan3A_5 = arith.constant 1 : i32
    scf.for %scan3A_9 = %scan3A to %scan3A_4 step %scan3A_5  : i32 {
      %mul3A_10 = arith.constant 1 : i32
      %mul3A_11 = arith.muli %scan3A_9, %mul3A_10 : i32
      %add3A_12 = arith.constant 0 : i32
      %add3A_13 = arith.addi %add3A_12, %mul3A_11 : i32
      %mul3A_14 = arith.constant 128 : i32
      %mul3A_15 = arith.muli %add3A_13, %mul3A_14 : i32
      %dma_start3A = tpu.memref_slice %arg6[%mul3A_15] : memref<2560xi32, #tpu.memory_space<vmem>> -> memref<128xi32, #tpu.memory_space<vmem>>
      %dma_start3A_16 = arith.constant 0 : i32
      %dma_start3A_17 = arith.constant 0 : i32
      %dma_start3A_18 = tpu.memref_slice %arg2[%dma_start3A_16, %dma_start3A_17] : memref<10000x128xf32, #tpu.memory_space<hbm>> -> memref<10000x128xf32, #tpu.memory_space<hbm>>
      tpu.enqueue_indirect_dma source(%dma_start3A_18 : memref<10000x128xf32, #tpu.memory_space<hbm>>) target(%arg8 : memref<128x128xf32, #tpu.memory_space<vmem>>) offsets(%dma_start3A : memref<128xi32, #tpu.memory_space<vmem>>) semaphore(%arg10 : memref<!tpu.dma_semaphore, #tpu.memory_space<semaphore_mem>>)
      %dma_wait3A = tpu.memref_slice %arg6[%mul3A_15] : memref<2560xi32, #tpu.memory_space<vmem>> -> memref<128xi32, #tpu.memory_space<vmem>>
      %dma_wait3A_19 = arith.constant 0 : i32
      %dma_wait3A_20 = arith.constant 0 : i32
      %dma_wait3A_21 = tpu.memref_slice %arg2[%dma_wait3A_19, %dma_wait3A_20] : memref<10000x128xf32, #tpu.memory_space<hbm>> -> memref<10000x128xf32, #tpu.memory_space<hbm>>
      tpu.wait_indirect_dma semaphore(%arg10 : memref<!tpu.dma_semaphore, #tpu.memory_space<semaphore_mem>>) src(%dma_wait3A_21 : memref<10000x128xf32, #tpu.memory_space<hbm>>) dst(%arg8 : memref<128x128xf32, #tpu.memory_space<vmem>>)
    }
    %scan3A_6 = arith.constant 20 : i32
    %mul3A_7 = arith.constant 320 : i32
    %mul3A_8 = arith.muli %add3A, %mul3A_7 : i32
    "tpu.region"() ({
      %run_scoped3A = tpu.sem_alloc : memref<!tpu.dma_semaphore, #tpu.memory_space<semaphore_mem>>
      %dma_start3A = arith.constant 0 : i32
      %dma_start3A_9 = tpu.memref_slice %arg5[%mul3A_8, %dma_start3A] : memref<10240x128xf32, #tpu.memory_space<hbm>> -> memref<320x128xf32, #tpu.memory_space<hbm>>
      %dma_start3A_10 = arith.constant 0 : i32
      %dma_start3A_11 = tpu.memref_slice %arg5[%mul3A_8, %dma_start3A_10] : memref<10240x128xf32, #tpu.memory_space<hbm>> -> memref<320x128xf32, #tpu.memory_space<hbm>>
      tpu.enqueue_dma source(%arg9 : memref<320x128xf32, #tpu.memory_space<vmem>>) target(%dma_start3A_11 : memref<320x128xf32, #tpu.memory_space<hbm>>) target_semaphore(%run_scoped3A : memref<!tpu.dma_semaphore, #tpu.memory_space<semaphore_mem>>)
      %dma_wait3A = arith.constant 0 : i32
      %dma_wait3A_12 = tpu.memref_slice %arg5[%mul3A_8, %dma_wait3A] : memref<10240x128xf32, #tpu.memory_space<hbm>> -> memref<320x128xf32, #tpu.memory_space<hbm>>
      %dma_wait3A_13 = arith.constant 0 : i32
      %dma_wait3A_14 = tpu.memref_slice %arg5[%mul3A_8, %dma_wait3A_13] : memref<10240x128xf32, #tpu.memory_space<hbm>> -> memref<320x128xf32, #tpu.memory_space<hbm>>
      tpu.wait_dma2 semaphore(%run_scoped3A : memref<!tpu.dma_semaphore, #tpu.memory_space<semaphore_mem>>) src(%arg9 : memref<320x128xf32, #tpu.memory_space<vmem>>) dst(%dma_wait3A_14 : memref<320x128xf32, #tpu.memory_space<hbm>>)
      tpu.yield
    }) : () -> ()
    return
  }
}

module attributes {stable_mosaic.version = 14 : i64} {
  func.func @_mm_body(%arg0: i32, %arg1: memref<512x128xf32, #tpu.memory_space<vmem>>, %arg2: memref<512x128xf32, #tpu.memory_space<vmem>>, %arg3: memref<128x128xf32, #tpu.memory_space<vmem>>, %arg4: memref<128x128xf32, #tpu.memory_space<vmem>>, %arg5: memref<512x128xf32, #tpu.memory_space<vmem>>) attributes {dimension_semantics = [#tpu.dimension_semantics<arbitrary>], iteration_bounds = array<i64: 20>, scalar_prefetch = 0 : i64, scratch_operands = 0 : i64, tpu.core_type = #tpu.core_type<tc>, window_params = [{transform_indices = @transform_0, window_bounds = array<i64: 512, 128>}, {transform_indices = @transform_1, window_bounds = array<i64: 512, 128>}, {pipeline_mode = #tpu.pipeline_mode<synchronous>, transform_indices = @transform_2, window_bounds = array<i64: 128, 128>}, {pipeline_mode = #tpu.pipeline_mode<synchronous>, transform_indices = @transform_3, window_bounds = array<i64: 128, 128>}, {transform_indices = @transform_4, window_bounds = array<i64: 512, 128>}]} {
    %get3A = arith.constant 0 : index
    %get3A_0 = arith.constant 0 : index
    %get3A_1 = vector.load %arg1[%get3A, %get3A_0] : memref<512x128xf32, #tpu.memory_space<vmem>>, vector<512x128xf32>
    %get3A_2 = arith.constant 0 : index
    %get3A_3 = arith.constant 0 : index
    %get3A_4 = vector.load %arg3[%get3A_2, %get3A_3] : memref<128x128xf32, #tpu.memory_space<vmem>>, vector<128x128xf32>
    %dot_general3A = arith.constant dense<0.000000e+00> : vector<512x128xf32>
    %dot_general3A_5 = tpu.matmul %get3A_1, %get3A_4, %dot_general3A {dimension_numbers = #tpu.dot_dimension_numbers<[1], [0], [0], [1], [0, 0, 1, 1], [], []>, transpose_lhs_hint = false} : vector<512x128xf32>, vector<128x128xf32>, vector<512x128xf32> -> vector<512x128xf32>
    %get3A_6 = arith.constant 0 : index
    %get3A_7 = arith.constant 0 : index
    %get3A_8 = vector.load %arg2[%get3A_6, %get3A_7] : memref<512x128xf32, #tpu.memory_space<vmem>>, vector<512x128xf32>
    %get3A_9 = arith.constant 0 : index
    %get3A_10 = arith.constant 0 : index
    %get3A_11 = vector.load %arg4[%get3A_9, %get3A_10] : memref<128x128xf32, #tpu.memory_space<vmem>>, vector<128x128xf32>
    %dot_general3A_12 = arith.constant dense<0.000000e+00> : vector<512x128xf32>
    %dot_general3A_13 = tpu.matmul %get3A_8, %get3A_11, %dot_general3A_12 {dimension_numbers = #tpu.dot_dimension_numbers<[1], [0], [0], [1], [0, 0, 1, 1], [], []>, transpose_lhs_hint = false} : vector<512x128xf32>, vector<128x128xf32>, vector<512x128xf32> -> vector<512x128xf32>
    %add3A = arith.addf %dot_general3A_5, %dot_general3A_13 : vector<512x128xf32>
    %max3A = arith.constant 0.000000e+00 : f32
    %max3A_14 = vector.broadcast %max3A : f32 to vector<512x128xf32>
    %max3A_15 = arith.maximumf %add3A, %max3A_14 : vector<512x128xf32>
    %swap3A = arith.constant 0 : index
    %swap3A_16 = arith.constant 0 : index
    %swap3A_17 = vector.load %arg5[%swap3A, %swap3A_16] : memref<512x128xf32, #tpu.memory_space<vmem>>, vector<512x128xf32>
    tpu.vector_store %arg5[%swap3A, %swap3A_16], %max3A_15 {strides = array<i32>} : memref<512x128xf32, #tpu.memory_space<vmem>>, vector<512x128xf32>,
    return
  }
  func.func @transform_0(%arg0: i32) -> (i32, i32) {
    %c0_i32 = arith.constant 0 : i32
    %c0_i32_0 = arith.constant 0 : i32
    return %arg0, %c0_i32 : i32, i32
  }
  func.func @transform_1(%arg0: i32) -> (i32, i32) {
    %c0_i32 = arith.constant 0 : i32
    %c0_i32_0 = arith.constant 0 : i32
    return %arg0, %c0_i32 : i32, i32
  }
  func.func @transform_2(%arg0: i32) -> (i32, i32) {
    %c0_i32 = arith.constant 0 : i32
    %c0_i32_0 = arith.constant 0 : i32
    %c0_i32_1 = arith.constant 0 : i32
    return %c0_i32, %c0_i32_0 : i32, i32
  }
  func.func @transform_3(%arg0: i32) -> (i32, i32) {
    %c0_i32 = arith.constant 0 : i32
    %c0_i32_0 = arith.constant 0 : i32
    %c0_i32_1 = arith.constant 0 : i32
    return %c0_i32, %c0_i32_0 : i32, i32
  }
  func.func @transform_4(%arg0: i32) -> (i32, i32) {
    %c0_i32 = arith.constant 0 : i32
    %c0_i32_0 = arith.constant 0 : i32
    return %arg0, %c0_i32 : i32, i32
  }
}

</mosaic_0001>

<sc_bundles>
// kernel: gather_offload_async_start.1
scs
__scs_entry_jumppad:
0x0: {  	(pc) =	sbr.rel $0x88, $3  }
0x1: {  	(tag) =	ssettag $0x0;
	lr =	simm.s32 $0x1  }
0x2: {  	[smem:$0x3F98] =	sst lr;
	_ =	strace $0xD0000000  }
0x3: {  	_ = 	snop  }
0x4: {  	_ = 	snop  }
0x5: {  	_ = 	snop  }
0x6: {  	_ = 	snop  }
0x7: {  	_ = 	snop  }
__scs_overlays_trampoline_lowered:
0x8: {  	[smem:$0x3FA7] =	sst s0  }
0x9: {  	[smem:$0x3FA8] =	sst s1  }
0xa: {  	[smem:$0x3FA9] =	sst s2  }
0xb: {  	[smem:$0x3FAA] =	sst s3  }
0xc: {  	[smem:$0x3FAB] =	sst s4  }
0xd: {  	[smem:$0x3FAC] =	sst s5  }
0xe: {  	[smem:$0x3FAD] =	sst s6  }
0xf: {  	[smem:$0x3FAE] =	sst s7  }
0x10: {  	[smem:$0x3FAF] =	sst s8  }
0x11: {  	[smem:$0x3FB0] =	sst s9;
	s0 =	simm.s32 @!p0 $0x0  }
0x12: {  	s1 =	sld [smem:$0x3F96];
	s0 =	simm.s32 @p0 $0x1  }
0x13: {  	[smem:$0x3FB1] =	sst s0;
	s0 =	simm.s32 @!p1 $0x0  }
0x14: {  	s2 =	sld [smem:$0x3F95];
	s0 =	simm.s32 @p1 $0x1  }
0x15: {  	[smem:$0x3FB2] =	sst s0;
	s0 =	simm.s32 @!p2 $0x0  }
0x16: {  	s3 =	sld [smem:$0x3FDB];
	s0 =	simm.s32 @p2 $0x1  }
0x17: {  	s4 =	simm.s32 $0x1BF5;
	[smem:$0x3FB4] =	sst s0  }
0x18: {  	s0 =	sld [smem:$0x3F97];
	_ =	swait.ge [sflag:s4], $0x0  }
0x19: {  	s7 =	sld [smem:$0x3F98]  }
0x1a: {  	s8 =	sadd.s32 $0xFFFFE003, lr  }
0x1b: {  	s9 =	sadd.s32 $0xFFFFFEF7, lr;
	s5 =	simm.s32 $0xFFFFFFFF;
	p2 =	slt.u32 s8, $0xFFFFF086  }
0x1c: {  	p1 =	slt.u32 s9, $0xF7A;
	s5 =	simm.s32 @!p2 $0x0  }
0x1d: {  	s5 =	simm.s32 @p1 $0x1;
	p0 =	seq.s32 s7, s2  }
0x1e: {  	s7 =	smul.u32 @!p0 $0xF7A, s2;
	p2 =	seq.s32 @!p0 s5, $0x0  }
0x1f: {  	s9 =	smul.u32 $0xF7A, s1;
	s8 =	simm.s32 @!p0 $0x1BF5;
	p2 =	por !p2, p0  }
0x20: {  	[sflag:s8] =	ssyncset.s32 @!p0 $0xFFFFF086;
	s6 =	sadd.s32 @!p0 s3, s7;
	s7 =	simm.s32 @!p0 $0x108  }
0x21: {  	s3 =	sadd.s32 s3, s9;
	s6 =	sadd.s32 @!p0 $0x88, s6;
	s7 =	simm.s32 @p2 $0x1082  }
0x22: {  	[simem:s7], [sflag:s8] =	dma.local @!p0 [hbm:s6], $0xF7A  }
0x23: {  	s9 =	sor.u32 $0xD0000000, s2;
	s6 =	simm.s32 $0x108;
	_ =	swait.ge @!p0 [sflag:s8], $0x0  }
0x24: {  	s3 =	sadd.s32 $0x88, s3;
	s6 =	simm.s32 @!p1 $0x1082;
	[sflag:s4] =	ssyncset.s32 $0xFFFFF086  }
0x25: {  	[simem:s6], [sflag:s4] =	dma.local [hbm:s3], $0xF7A  }
0x26: {  	[smem:$0x3F98] =	sst s1;
	(tag) =	ssettag s2;
	_ =	strace s9  }
0x27: {  	s1 =	sld [smem:$0x3FA8]  }
0x28: {  	s2 =	sld [smem:$0x3FA9]  }
0x29: {  	s4 =	sld [smem:$0x3FAB]  }
0x2a: {  	p0 =	seq.s32 s5, $0x0;
	s5 =	sld [smem:$0x3FAC]  }
0x2b: {  	s6 =	sld [smem:$0x3FAD]  }
0x2c: {  	s7 =	sld [smem:$0x3FAE]  }
0x2d: {  	s3 =	simm.s32 $0x108;
	s8 =	sld [smem:$0x3FAF]  }
0x2e: {  	s3 =	simm.s32 @!p0 $0x1082;
	s9 =	sld [smem:$0x3FB0]  }
0x2f: {  	lr =	sadd.s32 s0, s3;
	s0 =	sld [smem:$0x3FA7]  }
0x30: {  	s3 =	sld [smem:$0x3FAA]  }
0x31: {  	[smem:$0x3FB3] =	sst s10  }
0x32: {  	s10 =	sld [smem:$0x3FB1];
	_ =	sdelay $0x3  }
0x33: {  	p0 =	seq.s32 s10, $0x1;
	s10 =	sld [smem:$0x3FB3];
	_ =	sdelay $0x3  }
0x34: {  	[smem:$0x3FB3] =	sst s10  }
0x35: {  	s10 =	sld [smem:$0x3FB2];
	_ =	sdelay $0x3  }
0x36: {  	p1 =	seq.s32 s10, $0x1;
	s10 =	sld [smem:$0x3FB3];
	_ =	sdelay $0x3  }
0x37: {  	[smem:$0x3FB3] =	sst s10  }
0x38: {  	s10 =	sld [smem:$0x3FB4]  }
0x39: {  	_ = 	snop;
	(pc) =	sbr.ind lr, $3  }
0x3a: {  	_ = 	snop  }
0x3b: {  	_ = 	snop  }
0x3c: {  	p2 =	seq.s32 s10, $0x1;
	s10 =	sld [smem:$0x3FB3]  }
0x3d: {  	_ =	shalt  }
0x3e: {  	_ =	shalt  }
0x3f: {  	_ =	shalt  }
0x40: {  	_ =	shalt  }
0x41: {  	_ =	shalt  }
0x42: {  	_ =	shalt  }
0x43: {  	_ =	shalt  }
0x44: {  	_ =	shalt  }
0x45: {  	_ =	shalt  }
0x46: {  	_ =	shalt  }
0x47: {  	_ =	shalt  }
0x48: {  	_ =	shalt  }
0x49: {  	_ =	shalt  }
0x4a: {  	_ =	shalt  }
0x4b: {  	_ =	shalt  }
0x4c: {  	_ =	shalt  }
0x4d: {  	_ =	shalt  }
0x4e: {  	_ =	shalt  }
0x4f: {  	_ =	shalt  }
0x50: {  	_ =	shalt  }
0x51: {  	_ =	shalt  }
0x52: {  	_ =	shalt  }
0x53: {  	_ =	shalt  }
0x54: {  	_ =	shalt  }
0x55: {  	_ =	shalt  }
0x56: {  	_ =	shalt  }
0x57: {  	_ =	shalt  }
0x58: {  	_ =	shalt  }
0x59: {  	_ =	shalt  }
0x5a: {  	_ =	shalt  }
0x5b: {  	_ =	shalt  }
0x5c: {  	_ =	shalt  }
0x5d: {  	_ =	shalt  }
0x5e: {  	_ =	shalt  }
0x5f: {  	_ =	shalt  }
0x60: {  	_ =	shalt  }
0x61: {  	_ =	shalt  }
0x62: {  	_ =	shalt  }
0x63: {  	_ =	shalt  }
0x64: {  	_ =	shalt  }
0x65: {  	_ =	shalt  }
0x66: {  	_ =	shalt  }
0x67: {  	_ =	shalt  }
0x68: {  	_ =	shalt  }
0x69: {  	_ =	shalt  }
0x6a: {  	_ =	shalt  }
0x6b: {  	_ =	shalt  }
0x6c: {  	_ =	shalt  }
0x6d: {  	_ =	shalt  }
0x6e: {  	_ =	shalt  }
0x6f: {  	_ =	shalt  }
0x70: {  	_ =	shalt  }
0x71: {  	_ =	shalt  }
0x72: {  	_ =	shalt  }
0x73: {  	_ =	shalt  }
0x74: {  	_ =	shalt  }
0x75: {  	_ =	shalt  }
0x76: {  	_ =	shalt  }
0x77: {  	_ =	shalt  }
0x78: {  	_ =	shalt  }
0x79: {  	_ =	shalt  }
0x7a: {  	_ =	shalt  }
0x7b: {  	_ =	shalt  }
0x7c: {  	_ =	shalt  }
0x7d: {  	_ =	shalt  }
0x7e: {  	_ =	shalt  }
0x7f: {  	_ =	shalt  }
0x80: {  	_ =	shalt  }
0x81: {  	_ =	shalt  }
0x82: {  	_ =	shalt  }
0x83: {  	_ =	shalt  }
0x84: {  	_ =	shalt  }
0x85: {  	_ =	shalt  }
0x86: {  	_ =	shalt  }
0x87: {  	_ =	shalt  }
.Lfunc_end0:
.L_simem_size_0:
called_computation.1_lowered:
.L_overlay_start_0:
0x88: {  	s2 =	sld [smem:$0x3FD9]  }
0x89: {  	s3 =	sld [smem:$0x3FFE];
	_ =	sdelay $0x1  }
0x8a: {  	s1 =	srdreg.scid  }
0x8b: {  	s0 =	sand.u32 $0x1, s1  }
0x8c: {  	s17 =	sshll.u32 s0, $0xA;
	s2 =	sadd.s32 s3, s2  }
0x8d: {  	s2 =	sadd.s32 s2, s17  }
0x8e: {  	[smem:$0x3FBF] =	sst s2  }
0x8f: {  	_ = 	snop  }
0x90: {  	s2 =	sld [smem:$0x3FC6]  }
0x91: {  	s18 =	sld [smem:$0x3FD0];
	(tm) =	ssettm $0x1  }
0x92: {  	s4 =	sld [smem:$0x3FFB];
	_ =	sdelay $0x3  }
0x93: {  	_ =	strace s4  }
0x94: {  	s4 =	sld [smem:$0x3FFC];
	_ =	sdelay $0x3  }
0x95: {  	_ =	strace s4  }
0x96: {  	s4 =	sld [smem:$0x3FFD];
	_ =	sdelay $0x3  }
0x97: {  	_ =	strace s4  }
0x98: {  	_ =	strace $0x8FFFFFFF  }
0x99: {  	s19 =	sld [smem:$0x3FDB];
	_ =	sdelay $0x1  }
0x9a: {  	s5 =	simm.s32 $_scs_section_size  }
0x9b: {  	s6 =	simm.s32 $_size__tile_overlayer_lowered;
	s7 =	simm.s32 $_tile_overlayer_lowered  }
0x9c: {  	s22 =	simm.s32 $0x1BFF;
	s21 =	sshll.u32 s7, $0x1;
	s4 =	sadd.s32 s5, s19  }
0x9d: {  	s8 =	simm.s32 $0x0;
	s20 =	sshll.u32 s6, $0x1;
	s6 =	sadd.s32 s21, s4  }
0x9e: {  	[timem:s8], [sflag:s22] =	dma.local [hbm:s6], s20  }
0x9f: {  	_ =	swait.ge [sflag:s22], s20  }
0xa0: {  	s5 =	ssub.s32 $0x0, s20;
	[sflag:s22] =	ssyncset.done $0x0  }
0xa1: {  	[sflag:s22] =	ssyncadd.s32 s5;
	_ =	sdelay $0x1  }
0xa2: {  	s23 =	simm.s32 $0x1B8B  }
0xa3: {  	_ =	swait.ge [sflag:s23], $0x1  }
0xa4: {  	[sflag:s23] =	ssyncset.done $0x0  }
0xa5: {  	s25 =	simm.s32 $0x1B8E;
	s24 =	sld [smem:$0x3FFE];
	[sflag:s23] =	ssyncadd.s32 $0xFFFFFFFF  }
0xa6: {  	s26 =	simm.s32 $execute0_lowered;
	[smem:$0x3FD2] =	sst s25  }
0xa7: {  	s6 =	sshll.u32 s26, $0x1;
	_ =	strace $0x80000049;
	[dreg:$0x1] =	wrdreg $0xFFFFFFFF  }
0xa8: {  	s28 =	simm.s32 $_size_execute0_lowered;
	s4 =	sadd.s32 s4, s6;
	[dreg:$0x0] =	wrdreg $0x0  }
0xa9: {  	s6 =	sshll.u32 s28, $0x1;
	[dreg:$0x2] =	wrdreg s4  }
0xaa: {  	[dreg:$0x3] =	wrdreg s6  }
0xab: {  	[dreg:$0x4] =	wrdreg $0xC0  }
0xac: {  	_ =	task [dreg:s8], $0x5FFFF  }
0xad: {  	[dreg:$0x1] =	wrdreg $0xFFFFFFFF  }
0xae: {  	[dreg:$0x0] =	wrdreg $0x60  }
0xaf: {  	[dreg:$0x2] =	wrdreg s2  }
0xb0: {  	[dreg:$0x3] =	wrdreg s18  }
0xb1: {  	[dreg:$0x4] =	wrdreg s24  }
0xb2: {  	[dreg:$0x5] =	wrdreg $0x9  }
0xb3: {  	_ =	task.clear_ibuf [dreg:s8], $0x6FFFF;
	_ =	strace $0x90000049  }
0xb4: {  	s29 =	simm.s32 $0x9;
	_ =	strace $0x8000004B  }
0xb5: {  	_ =	swait.ge [sflag:s29], $0x1  }
0xb6: {  	[sflag:s29] =	ssyncadd.s32 $0xFFFFFFFF  }
0xb7: {  	_ =	strace $0x9000004B  }
0xb8: {  	_ =	sfence  }
0xb9: {  	s30 =	sld [smem:$0x0];
	_ =	sdelay $0x2  }
0xba: {  	s31 =	sshll.u32 s1, $0xD;
	s1 =	sshrl.u32 s1, $0x2  }
0xbb: {  	s3 =	sand.u32 $0x4000, s31;
	s1 =	sadd.s32 s1, s30  }
0xbc: {  	s0 =	sor.u32 s3, s0;
	s1 =	sshll.u32 s1, $0x11  }
0xbd: {  	s0 =	sor.u32 s1, s0  }
0xbe: {  	s0 =	sadd.s32 $0x8F2B, s0  }
0xbf: {  	[sflag:s0] =	ssyncadd.remote.s32 $0x1  }
0xc0: {  	_ =	sfence.sel $0xFFFF  }
0xc1: {  	[dreg:$0x0] =	wrdreg $0xFFFFFFFF;
	(pc) =	sbr.abs _section_cstart, $3  }
0xc2: {  	[dreg:$0x1] =	wrdreg $0xFFFFFFFF  }
0xc3: {  	_ =	task.clear_ibuf [dreg:s8], $0x2FFFF;
	_ =	strace $0x9FFFFFFF  }
0xc4: {  	(tm) =	ssettm $0x7FFFFFFF  }
0xc5: {  	_ =	shalt  }
tec
execute0_lowered:
.L_overlay_start_1:
0x0: {  	(tag) =	ssettag $0x1  }
0x1: {  	s2 =	rddreg [dreg:$0x0]  }
0x2: {  	s1 =	srdreg.scid;
	s3 =	rddreg [dreg:$0x1]  }
0x3: {  	s0 =	stileid.u32;
	s5 =	rddreg [dreg:$0x2]  }
0x4: {  	s9 =	simm.s32 $0x1;
	s10 =	simm.s32 $0x3;
	s1 =	sshll.u32 s1, $0xB  }
0x5: {  	s13 =	simm.s32 $0x0;
	s4 =	sshll.u32 s0, $0xC;
	s6 =	sand.u32 $0x800, s1  }
0x6: {  	s12 =	simm.s32 $0x0;
	s5 =	sadd.s32 $0x30E00, s5;
	s4 =	sor.u32 s4, s6  }
0x7: {  	s1 =	rddreg [dreg:$0x3];
	_ =	strace $0x8000004A;
	s8 =	ssub.s32 $0x14000, s4  }
.Ltmp0:
0x8: {  	s6 =	simm.s32 $0x1;
	s7 =	sand.u32 $0xF800, s8;
	(pc) =	sbr.rel .LBB2_1-.Ltmp0, $4  }
0x9: {  	[sflag:s6] =	ssyncpa.u1 $0x0;
	s11 =	smov.u32 s4;
	p0 =	sne.s32 s7, $0x0  }
0xa: {  	s8 =	sshrl.u32 s8, $0x10;
	s7 =	simm.s32 $0x2;
	s9 =	simm.s32 @!p0 $0x0  }
0xb: {  	[sflag:s7] =	ssyncpa.u1 $0x0;
	p0 =	por $0x0, $0x0;
	s8 =	sadd.s32 s9, s8  }
0xc: {  	vm0 =	vmmov $0xffff;
	[sflag:s10] =	ssyncpa.u1 $0x0;
	s10 =	simm.s32 $0x0;
	s9 =	sadd.s32 $0x1, s8  }
.LBB2_4:
0xd: {  	v2 =	vnsel vm1, $0x0, v2  }
0xe: {  	vm1 =	vgt.s32 v0, $0x0;
	v2 =	vmin.u32 v2, $0x1115D  }
0xf: {  	v0 =	vnsel vm1, $0x0, v0  }
0x10: {  	v0 =	vmin.u32 v0, $0x1115D  }
0x11: {  	[tilespmem:s15], [sflag:$0x1] =	stream.indirect_vreg.gather [hbm4b:s2+s10], $0x1, v1, vm0, $0x4038;
	[tilespmem:$0x2000] =	vst v63  }
0x12: {  	(ifvalue) =	ssetifvalue $0x7FFFFFFF  }
0x13: {  	[tilespmem:s16], [sflag:$0x1] =	stream.indirect_vreg.gather [hbm4b:s2+s10], $0x1, v2, vm0, $0x4038;
	[tilespmem:$0x2000] =	vst v63  }
0x14: {  	s29 =	sadd.s32 $0x10, s16;
	(ifvalue) =	ssetifvalue $0x7FFFFFFF  }
0x15: {  	[tilespmem:s29], [sflag:$0x1] =	stream.indirect_vreg.gather [hbm4b:s2+s10], $0x1, v0, vm0, $0x4038;
	[tilespmem:$0x2000] =	vst v63  }
0x16: {  	_ =	swait.ge [sflag:s6], $0x800  }
0x17: {  	s30 =	sshrl.u32 s13, $0x3;
	[sflag:s6] =	ssyncset.done $0x0  }
0x18: {  	s31 =	sand.u32 $0x7, s13;
	s15 =	sadd.s32 s5, s30;
	[sflag:s6] =	ssyncadd.s32 $0xFFFFF800  }
0x19: {  	[hbm4b:s15+s31] =	stream.linear.scatter [tilespmem:s14], [sflag:$0x3], $0x800, $0x38;
	[tilespmem:$0x2000] =	vst v63  }
.LBB2_5:
0x1a: {  	s15 =	sadd.s32 $0x10000, s11  }
0x1b: {  	p2 =	sgt.s32 s15, $0x13FFF  }
0x1c: {  	s15 =	smov.u32 @p2 s4;
	p2 =	sne.s32 s12, s9  }
.Ltmp1:
0x1d: {  	p1 =	slt.u32 s12, $0x2;
	(pc) =	sbr.rel @!p2 .LBB2_6-.Ltmp1, $4  }
0x1e: {  	s14 =	simm.s32 @!p1 $0x3  }
0x1f: {  	s16 =	sadd.s32 $0x1, s12;
	_ =	swait.ge @!p1 [sflag:s14], $0x800  }
0x20: {  	s13 =	smov.u32 s11;
	p0 =	por !p0, !p0;
	[sflag:s14] =	ssyncset.done @!p1 $0x0  }
0x21: {  	s12 =	smov.u32 s16;
	s11 =	smov.u32 s15;
	[sflag:s14] =	ssyncadd.s32 @!p1 $0xFFFFF800  }
.LBB2_1:
0x22: {  	p1 =	sge.u32 s12, s8  }
0x23: {  	s14 =	sxor.u32 @!p1 $0xFFFFFFFF, s12  }
0x24: {  	s31 =	sadd.s32 $0xFFFFFFFF, s12;
	s15 =	sshrl.u32 @!p1 s11, $0x3;
	s14 =	sshll.u32 @!p1 s14, $0xB  }
0x25: {  	s16 =	sand.u32 @!p1 $0x7, s11;
	s15 =	sadd.s32 @!p1 s3, s15;
	s14 =	sand.u32 @!p1 $0x800, s14  }
0x26: {  	[tilespmem:s14], [sflag:$0x2] =	stream.linear.gather @!p1 [hbm4b:s15+s16], $0x800, $0x38;
	[tilespmem:$0x2000] =	vst v63  }
0x27: {  	p1 =	sge.u32 s31, s8  }
.Ltmp2:
0x28: {  	_ = 	snop;
	(pc) =	sbr.rel @p1 .LBB2_5-.Ltmp2, $1  }
0x29: {  	_ =	sdelay $0x3  }
0x2a: {  	s14 =	simm.s32 $0x1  }
0x2b: {  	_ =	swait.ge [sflag:s7], $0x800;
	s14 =	simm.s32 @!p0 $0x0  }
0x2c: {  	[sflag:s7] =	ssyncset.done $0x0;
	s14 =	sshll.u32 s14, $0xB  }
0x2d: {  	[sflag:s7] =	ssyncadd.s32 $0xFFFFF800;
	(ifvalue) =	ssetifvalue $0x7FFFFFFF;
	v0 =	vld.msk [tilespmem:s14+$0x0 ss:$0x1], $0xffff;
	_ =	sdelay $0x4  }
0x2e: {  	s15 =	sadd.s32 $0x10, s14;
	vm1 =	vgt.s32 v0, $0x0  }
0x2f: {  	v2 =	vld.msk [tilespmem:s15+$0x0 ss:$0x1], $0xffff;
	v1 =	vnsel vm1, $0x0, v0  }
0x30: {  	v1 =	vmin.u32 v1, $0x1115D;
	_ =	sdelay $0x1  }
0x31: {  	s16 =	sshll.u32 s12, $0xB;
	s18 =	simm.s32 $0x20  }
0x32: {  	s16 =	sand.u32 $0x800, s16;
	s17 =	sadd.s32 $0x10, s15;
	s15 =	sor.u32 $0x1000, s14  }
0x33: {  	s14 =	sor.u32 $0x1000, s16;
	s16 =	sadd.s32 $0x10, s15;
	v0 =	vld.msk [tilespmem:s17+$0x0 ss:$0x1], $0xffff;
	vm1 =	vgt.s32 v2, $0x0;
	(ifvalue) =	ssetifvalue $0x7FFFFFFF  }
.LBB2_3:
0x34: {  	[tilespmem:s15], [sflag:$0x1] =	stream.indirect_vreg.gather [hbm4b:s2+s10], $0x1, v1, vm0, $0x4038;
	[tilespmem:$0x2000] =	vst v63  }
0x35: {  	s18 =	sadd.s32 $0x10, s18  }
0x36: {  	v2 =	vnsel vm1, $0x0, v2;
	p1 =	slt.u32 s18, $0x7F0  }
.Ltmp3:
0x37: {  	s15 =	smov.u32 s16;
	v1 =	vmin.u32 v2, $0x1115D;
	(pc) =	sbr.rel @p1 .LBB2_3-.Ltmp3, $3  }
0x38: {  	_ =	sdelay $0x1  }
0x39: {  	s17 =	sadd.s32 $0x10, s17  }
0x3a: {  	vm1 =	vgt.s32 v0, $0x0;
	s16 =	sadd.s32 $0x10, s16;
	v2 =	vmov v0;
	(ifvalue) =	ssetifvalue $0x7FFFFFFF;
	v0 =	vld.msk [tilespmem:s17+$0x0 ss:$0x1], $0xffff  }
.Ltmp4:
0x3b: {  	_ = 	snop;
	(pc) =	sbr.rel .LBB2_4-.Ltmp4, $1  }
0x3c: {  	_ =	sdelay $0x3  }
.LBB2_6:
0x3d: {  	_ =	sfence.sel $0x180000  }
0x3e: {  	s2 =	simm.s32 $0x2;
	[bflag:$0x0] =	sbarrier.arrive $0xFFFF  }
0x3f: {  	s30 =	simm.s32 $0x3;
	[sflag:s2] =	ssyncpa.u1 $0x1  }
0x40: {  	s31 =	simm.s32 $0x1;
	[sflag:s30] =	ssyncpa.u1 $0x1  }
0x41: {  	[sflag:s31] =	ssyncpa.u1 $0x1  }
0x42: {  	p0 =	sne.s32 s0, $0x0;
	_ =	strace $0x9000004A  }
0x43: {  	s0 =	sadd.s32 @!p0 $0x100000, s1;
	[bflag:$0x2] =	sbarrier.arrive $0xFFFF  }
0x44: {  	[sflag:s0] =	ssyncadd.tile.s32 @!p0 $0x1;
	_ =	shalt  }
.Lfunc_end2:
_tile_overlayer_lowered:
.L_overlay_start_2:
0x45: {  	(tag) =	ssettag $0x2  }
0x46: {  	s0 =	rddreg [dreg:$0x0];
	s2 =	stileid.u32  }
0x47: {  	s1 =	rddreg [dreg:$0x1];
	p0 =	sne.s32 s2, $0x0  }
0x48: {  	s3 =	rddreg [dreg:$0x2];
	[bflag:$0x3] =	sbarrier.arrive $0xFFFF;
	s2 =	simm.s32 @!p0 $0x1C01  }
0x49: {  	[timem:s3], [sflag:s2] =	dma.local @!p0 [hbm:s0], s1  }
0x4a: {  	s0 =	simm.s32 @!p0 $0x1  }
0x4b: {  	_ =	swait.ge @!p0 [sflag:s0], s1  }
0x4c: {  	s1 =	ssub.s32 @!p0 $0x0, s1;
	[sflag:s0] =	ssyncset.done @!p0 $0x0  }
0x4d: {  	[sflag:s0] =	ssyncadd.s32 @!p0 s1  }
0x4e: {  	[bflag:$0x3] =	sbarrier.arrive $0xFFFF  }
0x4f: {  	_ =	shalt  }

// kernel: gather_offload_async_start.2
scs
__scs_entry_jumppad:
0x0: {  	(pc) =	sbr.rel $0x88, $3  }
0x1: {  	(tag) =	ssettag $0x0;
	lr =	simm.s32 $0x1  }
0x2: {  	[smem:$0x3F98] =	sst lr;
	_ =	strace $0xD0000000  }
0x3: {  	_ = 	snop  }
0x4: {  	_ = 	snop  }
0x5: {  	_ = 	snop  }
0x6: {  	_ = 	snop  }
0x7: {  	_ = 	snop  }
__scs_overlays_trampoline_lowered:
0x8: {  	[smem:$0x3FA7] =	sst s0  }
0x9: {  	[smem:$0x3FA8] =	sst s1  }
0xa: {  	[smem:$0x3FA9] =	sst s2  }
0xb: {  	[smem:$0x3FAA] =	sst s3  }
0xc: {  	[smem:$0x3FAB] =	sst s4  }
0xd: {  	[smem:$0x3FAC] =	sst s5  }
0xe: {  	[smem:$0x3FAD] =	sst s6  }
0xf: {  	[smem:$0x3FAE] =	sst s7  }
0x10: {  	[smem:$0x3FAF] =	sst s8  }
0x11: {  	[smem:$0x3FB0] =	sst s9;
	s0 =	simm.s32 @!p0 $0x0  }
0x12: {  	s1 =	sld [smem:$0x3F96];
	s0 =	simm.s32 @p0 $0x1  }
0x13: {  	[smem:$0x3FB1] =	sst s0;
	s0 =	simm.s32 @!p1 $0x0  }
0x14: {  	s2 =	sld [smem:$0x3F95];
	s0 =	simm.s32 @p1 $0x1  }
0x15: {  	[smem:$0x3FB2] =	sst s0;
	s0 =	simm.s32 @!p2 $0x0  }
0x16: {  	s3 =	sld [smem:$0x3FDB];
	s0 =	simm.s32 @p2 $0x1  }
0x17: {  	s4 =	simm.s32 $0x1BF5;
	[smem:$0x3FB4] =	sst s0  }
0x18: {  	s0 =	sld [smem:$0x3F97];
	_ =	swait.ge [sflag:s4], $0x0  }
0x19: {  	s7 =	sld [smem:$0x3F98]  }
0x1a: {  	s8 =	sadd.s32 $0xFFFFE003, lr  }
0x1b: {  	s9 =	sadd.s32 $0xFFFFFEF7, lr;
	s5 =	simm.s32 $0xFFFFFFFF;
	p2 =	slt.u32 s8, $0xFFFFF086  }
0x1c: {  	p1 =	slt.u32 s9, $0xF7A;
	s5 =	simm.s32 @!p2 $0x0  }
0x1d: {  	s5 =	simm.s32 @p1 $0x1;
	p0 =	seq.s32 s7, s2  }
0x1e: {  	s7 =	smul.u32 @!p0 $0xF7A, s2;
	p2 =	seq.s32 @!p0 s5, $0x0  }
0x1f: {  	s9 =	smul.u32 $0xF7A, s1;
	s8 =	simm.s32 @!p0 $0x1BF5;
	p2 =	por !p2, p0  }
0x20: {  	[sflag:s8] =	ssyncset.s32 @!p0 $0xFFFFF086;
	s6 =	sadd.s32 @!p0 s3, s7;
	s7 =	simm.s32 @!p0 $0x108  }
0x21: {  	s3 =	sadd.s32 s3, s9;
	s6 =	sadd.s32 @!p0 $0x88, s6;
	s7 =	simm.s32 @p2 $0x1082  }
0x22: {  	[simem:s7], [sflag:s8] =	dma.local @!p0 [hbm:s6], $0xF7A  }
0x23: {  	s9 =	sor.u32 $0xD0000000, s2;
	s6 =	simm.s32 $0x108;
	_ =	swait.ge @!p0 [sflag:s8], $0x0  }
0x24: {  	s3 =	sadd.s32 $0x88, s3;
	s6 =	simm.s32 @!p1 $0x1082;
	[sflag:s4] =	ssyncset.s32 $0xFFFFF086  }
0x25: {  	[simem:s6], [sflag:s4] =	dma.local [hbm:s3], $0xF7A  }
0x26: {  	[smem:$0x3F98] =	sst s1;
	(tag) =	ssettag s2;
	_ =	strace s9  }
0x27: {  	s1 =	sld [smem:$0x3FA8]  }
0x28: {  	s2 =	sld [smem:$0x3FA9]  }
0x29: {  	s4 =	sld [smem:$0x3FAB]  }
0x2a: {  	p0 =	seq.s32 s5, $0x0;
	s5 =	sld [smem:$0x3FAC]  }
0x2b: {  	s6 =	sld [smem:$0x3FAD]  }
0x2c: {  	s7 =	sld [smem:$0x3FAE]  }
0x2d: {  	s3 =	simm.s32 $0x108;
	s8 =	sld [smem:$0x3FAF]  }
0x2e: {  	s3 =	simm.s32 @!p0 $0x1082;
	s9 =	sld [smem:$0x3FB0]  }
0x2f: {  	lr =	sadd.s32 s0, s3;
	s0 =	sld [smem:$0x3FA7]  }
0x30: {  	s3 =	sld [smem:$0x3FAA]  }
0x31: {  	[smem:$0x3FB3] =	sst s10  }
0x32: {  	s10 =	sld [smem:$0x3FB1];
	_ =	sdelay $0x3  }
0x33: {  	p0 =	seq.s32 s10, $0x1;
	s10 =	sld [smem:$0x3FB3];
	_ =	sdelay $0x3  }
0x34: {  	[smem:$0x3FB3] =	sst s10  }
0x35: {  	s10 =	sld [smem:$0x3FB2];
	_ =	sdelay $0x3  }
0x36: {  	p1 =	seq.s32 s10, $0x1;
	s10 =	sld [smem:$0x3FB3];
	_ =	sdelay $0x3  }
0x37: {  	[smem:$0x3FB3] =	sst s10  }
0x38: {  	s10 =	sld [smem:$0x3FB4]  }
0x39: {  	_ = 	snop;
	(pc) =	sbr.ind lr, $3  }
0x3a: {  	_ = 	snop  }
0x3b: {  	_ = 	snop  }
0x3c: {  	p2 =	seq.s32 s10, $0x1;
	s10 =	sld [smem:$0x3FB3]  }
0x3d: {  	_ =	shalt  }
0x3e: {  	_ =	shalt  }
0x3f: {  	_ =	shalt  }
0x40: {  	_ =	shalt  }
0x41: {  	_ =	shalt  }
0x42: {  	_ =	shalt  }
0x43: {  	_ =	shalt  }
0x44: {  	_ =	shalt  }
0x45: {  	_ =	shalt  }
0x46: {  	_ =	shalt  }
0x47: {  	_ =	shalt  }
0x48: {  	_ =	shalt  }
0x49: {  	_ =	shalt  }
0x4a: {  	_ =	shalt  }
0x4b: {  	_ =	shalt  }
0x4c: {  	_ =	shalt  }
0x4d: {  	_ =	shalt  }
0x4e: {  	_ =	shalt  }
0x4f: {  	_ =	shalt  }
0x50: {  	_ =	shalt  }
0x51: {  	_ =	shalt  }
0x52: {  	_ =	shalt  }
0x53: {  	_ =	shalt  }
0x54: {  	_ =	shalt  }
0x55: {  	_ =	shalt  }
0x56: {  	_ =	shalt  }
0x57: {  	_ =	shalt  }
0x58: {  	_ =	shalt  }
0x59: {  	_ =	shalt  }
0x5a: {  	_ =	shalt  }
0x5b: {  	_ =	shalt  }
0x5c: {  	_ =	shalt  }
0x5d: {  	_ =	shalt  }
0x5e: {  	_ =	shalt  }
0x5f: {  	_ =	shalt  }
0x60: {  	_ =	shalt  }
0x61: {  	_ =	shalt  }
0x62: {  	_ =	shalt  }
0x63: {  	_ =	shalt  }
0x64: {  	_ =	shalt  }
0x65: {  	_ =	shalt  }
0x66: {  	_ =	shalt  }
0x67: {  	_ =	shalt  }
0x68: {  	_ =	shalt  }
0x69: {  	_ =	shalt  }
0x6a: {  	_ =	shalt  }
0x6b: {  	_ =	shalt  }
0x6c: {  	_ =	shalt  }
0x6d: {  	_ =	shalt  }
0x6e: {  	_ =	shalt  }
0x6f: {  	_ =	shalt  }
0x70: {  	_ =	shalt  }
0x71: {  	_ =	shalt  }
0x72: {  	_ =	shalt  }
0x73: {  	_ =	shalt  }
0x74: {  	_ =	shalt  }
0x75: {  	_ =	shalt  }
0x76: {  	_ =	shalt  }
0x77: {  	_ =	shalt  }
0x78: {  	_ =	shalt  }
0x79: {  	_ =	shalt  }
0x7a: {  	_ =	shalt  }
0x7b: {  	_ =	shalt  }
0x7c: {  	_ =	shalt  }
0x7d: {  	_ =	shalt  }
0x7e: {  	_ =	shalt  }
0x7f: {  	_ =	shalt  }
0x80: {  	_ =	shalt  }
0x81: {  	_ =	shalt  }
0x82: {  	_ =	shalt  }
0x83: {  	_ =	shalt  }
0x84: {  	_ =	shalt  }
0x85: {  	_ =	shalt  }
0x86: {  	_ =	shalt  }
0x87: {  	_ =	shalt  }
.Lfunc_end0:
.L_simem_size_0:
called_computation.2_lowered:
.L_overlay_start_0:
0x88: {  	s2 =	sld [smem:$0x3FD9]  }
0x89: {  	s3 =	sld [smem:$0x3FFE];
	_ =	sdelay $0x1  }
0x8a: {  	s1 =	srdreg.scid  }
0x8b: {  	s0 =	sand.u32 $0x1, s1  }
0x8c: {  	s17 =	sshll.u32 s0, $0xA;
	s2 =	sadd.s32 s3, s2  }
0x8d: {  	s2 =	sadd.s32 s2, s17  }
0x8e: {  	[smem:$0x3FBF] =	sst s2  }
0x8f: {  	_ = 	snop  }
0x90: {  	s2 =	sld [smem:$0x3FC1];
	(tm) =	ssettm $0x1  }
0x91: {  	s18 =	sld [smem:$0x3FFB];
	_ =	sdelay $0x3  }
0x92: {  	_ =	strace s18  }
0x93: {  	s3 =	sld [smem:$0x3FFC];
	_ =	sdelay $0x3  }
0x94: {  	_ =	strace s3  }
0x95: {  	s3 =	sld [smem:$0x3FFD];
	_ =	sdelay $0x3  }
0x96: {  	_ =	strace s3  }
0x97: {  	_ =	strace $0x8FFFFFFF  }
0x98: {  	s19 =	sld [smem:$0x3FDB];
	_ =	sdelay $0x1  }
0x99: {  	s4 =	simm.s32 $_scs_section_size  }
0x9a: {  	s5 =	simm.s32 $_size__tile_overlayer_lowered;
	s6 =	simm.s32 $_tile_overlayer_lowered  }
0x9b: {  	s22 =	simm.s32 $0x1BFF;
	s21 =	sshll.u32 s6, $0x1;
	s3 =	sadd.s32 s4, s19  }
0x9c: {  	s7 =	simm.s32 $0x0;
	s20 =	sshll.u32 s5, $0x1;
	s5 =	sadd.s32 s21, s3  }
0x9d: {  	[timem:s7], [sflag:s22] =	dma.local [hbm:s5], s20  }
0x9e: {  	_ =	swait.ge [sflag:s22], s20  }
0x9f: {  	s4 =	ssub.s32 $0x0, s20;
	[sflag:s22] =	ssyncset.done $0x0  }
0xa0: {  	[sflag:s22] =	ssyncadd.s32 s4;
	_ =	sdelay $0x1  }
0xa1: {  	s23 =	simm.s32 $0x1B8B  }
0xa2: {  	_ =	swait.ge [sflag:s23], $0x1  }
0xa3: {  	[sflag:s23] =	ssyncset.done $0x0  }
0xa4: {  	s25 =	simm.s32 $0x1B8E;
	s24 =	sld [smem:$0x3FFE];
	[sflag:s23] =	ssyncadd.s32 $0xFFFFFFFF  }
0xa5: {  	s26 =	simm.s32 $execute0_lowered;
	[smem:$0x3FD2] =	sst s25  }
0xa6: {  	s5 =	sshll.u32 s26, $0x1;
	_ =	strace $0x8000004C;
	[dreg:$0x1] =	wrdreg $0xFFFFFFFF  }
0xa7: {  	s28 =	simm.s32 $_size_execute0_lowered;
	s3 =	sadd.s32 s3, s5;
	[dreg:$0x0] =	wrdreg $0x0  }
0xa8: {  	s5 =	sshll.u32 s28, $0x1;
	[dreg:$0x2] =	wrdreg s3  }
0xa9: {  	[dreg:$0x3] =	wrdreg s5  }
0xaa: {  	[dreg:$0x4] =	wrdreg $0xC0  }
0xab: {  	_ =	task [dreg:s7], $0x5FFFF  }
0xac: {  	[dreg:$0x1] =	wrdreg $0xFFFFFFFF  }
0xad: {  	[dreg:$0x0] =	wrdreg $0x60  }
0xae: {  	[dreg:$0x2] =	wrdreg s2  }
0xaf: {  	[dreg:$0x3] =	wrdreg s24  }
0xb0: {  	[dreg:$0x4] =	wrdreg $0x9  }
0xb1: {  	_ =	task.clear_ibuf [dreg:s7], $0x5FFFF;
	_ =	strace $0x9000004C  }
0xb2: {  	s29 =	simm.s32 $0x9;
	_ =	strace $0x8000004E  }
0xb3: {  	_ =	swait.ge [sflag:s29], $0x1  }
0xb4: {  	[sflag:s29] =	ssyncadd.s32 $0xFFFFFFFF  }
0xb5: {  	_ =	strace $0x9000004E  }
0xb6: {  	_ =	sfence  }
0xb7: {  	s30 =	sld [smem:$0x0];
	_ =	sdelay $0x2  }
0xb8: {  	s31 =	sshll.u32 s1, $0xD;
	s1 =	sshrl.u32 s1, $0x2  }
0xb9: {  	s3 =	sand.u32 $0x4000, s31;
	s1 =	sadd.s32 s1, s30  }
0xba: {  	s0 =	sor.u32 s3, s0;
	s1 =	sshll.u32 s1, $0x11  }
0xbb: {  	s0 =	sor.u32 s1, s0  }
0xbc: {  	s0 =	sadd.s32 $0x8F2B, s0  }
0xbd: {  	[sflag:s0] =	ssyncadd.remote.s32 $0x1  }
0xbe: {  	_ =	sfence.sel $0xFFFF  }
0xbf: {  	[dreg:$0x0] =	wrdreg $0xFFFFFFFF;
	(pc) =	sbr.abs _section_cstart, $3  }
0xc0: {  	[dreg:$0x1] =	wrdreg $0xFFFFFFFF  }
0xc1: {  	_ =	task.clear_ibuf [dreg:s7], $0x2FFFF;
	_ =	strace $0x9FFFFFFF  }
0xc2: {  	(tm) =	ssettm $0x7FFFFFFF  }
0xc3: {  	_ =	shalt  }
tec
execute0_lowered:
.L_overlay_start_1:
0x0: {  	(tag) =	ssettag $0x1  }
0x1: {  	s1 =	srdreg.scid;
	s2 =	rddreg [dreg:$0x0]  }
0x2: {  	s0 =	stileid.u32;
	s5 =	rddreg [dreg:$0x1];
	s6 =	simm.s32 $0x1  }
0x3: {  	s9 =	simm.s32 $0x1;
	s10 =	simm.s32 $0x3;
	s1 =	sshll.u32 s1, $0xB  }
0x4: {  	s13 =	simm.s32 $0x0;
	s3 =	sshll.u32 s0, $0xC;
	s4 =	sand.u32 $0x800, s1  }
0x5: {  	s12 =	simm.s32 $0x0;
	s1 =	rddreg [dreg:$0x2];
	s3 =	sor.u32 s3, s4  }
0x6: {  	_ =	strace $0x8000004D;
	s4 =	sadd.s32 $0x6600, s5;
	s8 =	ssub.s32 $0x14000, s3  }
.Ltmp0:
0x7: {  	s5 =	sadd.s32 $0xB600, s5;
	s7 =	sand.u32 $0xF800, s8;
	(pc) =	sbr.rel .LBB2_1-.Ltmp0, $4  }
0x8: {  	[sflag:s6] =	ssyncpa.u1 $0x0;
	s11 =	smov.u32 s3;
	p0 =	sne.s32 s7, $0x0  }
0x9: {  	s8 =	sshrl.u32 s8, $0x10;
	s7 =	simm.s32 $0x2;
	s9 =	simm.s32 @!p0 $0x0  }
0xa: {  	[sflag:s7] =	ssyncpa.u1 $0x0;
	p0 =	por $0x0, $0x0;
	s8 =	sadd.s32 s9, s8  }
0xb: {  	vm0 =	vmmov $0xffff;
	[sflag:s10] =	ssyncpa.u1 $0x0;
	s10 =	simm.s32 $0x0;
	s9 =	sadd.s32 $0x1, s8  }
.LBB2_4:
0xc: {  	v2 =	vnsel vm1, $0x0, v2  }
0xd: {  	vm1 =	vgt.s32 v0, $0x0;
	v2 =	vmin.u32 v2, $0x11161  }
0xe: {  	v0 =	vnsel vm1, $0x0, v0  }
0xf: {  	v0 =	vmin.u32 v0, $0x11161  }
0x10: {  	[tilespmem:s15], [sflag:$0x1] =	stream.indirect_vreg.gather [hbm4b:s2+s10], $0x1, v1, vm0, $0x4038;
	[tilespmem:$0x2000] =	vst v63  }
0x11: {  	(ifvalue) =	ssetifvalue $0x7FFFFFFF  }
0x12: {  	[tilespmem:s16], [sflag:$0x1] =	stream.indirect_vreg.gather [hbm4b:s2+s10], $0x1, v2, vm0, $0x4038;
	[tilespmem:$0x2000] =	vst v63  }
0x13: {  	s29 =	sadd.s32 $0x10, s16;
	(ifvalue) =	ssetifvalue $0x7FFFFFFF  }
0x14: {  	[tilespmem:s29], [sflag:$0x1] =	stream.indirect_vreg.gather [hbm4b:s2+s10], $0x1, v0, vm0, $0x4038;
	[tilespmem:$0x2000] =	vst v63  }
0x15: {  	_ =	swait.ge [sflag:s6], $0x800  }
0x16: {  	s30 =	sshrl.u32 s13, $0x3;
	[sflag:s6] =	ssyncset.done $0x0  }
0x17: {  	s31 =	sand.u32 $0x7, s13;
	s15 =	sadd.s32 s5, s30;
	[sflag:s6] =	ssyncadd.s32 $0xFFFFF800  }
0x18: {  	[hbm4b:s15+s31] =	stream.linear.scatter [tilespmem:s14], [sflag:$0x3], $0x800, $0x38;
	[tilespmem:$0x2000] =	vst v63  }
.LBB2_5:
0x19: {  	s15 =	sadd.s32 $0x10000, s11  }
0x1a: {  	p2 =	sgt.s32 s15, $0x13FFF  }
0x1b: {  	s15 =	smov.u32 @p2 s3;
	p2 =	sne.s32 s12, s9  }
.Ltmp1:
0x1c: {  	p1 =	slt.u32 s12, $0x2;
	(pc) =	sbr.rel @!p2 .LBB2_6-.Ltmp1, $4  }
0x1d: {  	s14 =	simm.s32 @!p1 $0x3  }
0x1e: {  	s16 =	sadd.s32 $0x1, s12;
	_ =	swait.ge @!p1 [sflag:s14], $0x800  }
0x1f: {  	s13 =	smov.u32 s11;
	p0 =	por !p0, !p0;
	[sflag:s14] =	ssyncset.done @!p1 $0x0  }
0x20: {  	s12 =	smov.u32 s16;
	s11 =	smov.u32 s15;
	[sflag:s14] =	ssyncadd.s32 @!p1 $0xFFFFF800  }
.LBB2_1:
0x21: {  	p1 =	sge.u32 s12, s8  }
0x22: {  	s14 =	sxor.u32 @!p1 $0xFFFFFFFF, s12  }
0x23: {  	s31 =	sadd.s32 $0xFFFFFFFF, s12;
	s15 =	sshrl.u32 @!p1 s11, $0x3;
	s14 =	sshll.u32 @!p1 s14, $0xB  }
0x24: {  	s16 =	sand.u32 @!p1 $0x7, s11;
	s15 =	sadd.s32 @!p1 s4, s15;
	s14 =	sand.u32 @!p1 $0x800, s14  }
0x25: {  	[tilespmem:s14], [sflag:$0x2] =	stream.linear.gather @!p1 [hbm4b:s15+s16], $0x800, $0x38;
	[tilespmem:$0x2000] =	vst v63  }
0x26: {  	p1 =	sge.u32 s31, s8  }
.Ltmp2:
0x27: {  	_ = 	snop;
	(pc) =	sbr.rel @p1 .LBB2_5-.Ltmp2, $1  }
0x28: {  	_ =	sdelay $0x3  }
0x29: {  	s14 =	simm.s32 $0x1  }
0x2a: {  	_ =	swait.ge [sflag:s7], $0x800;
	s14 =	simm.s32 @!p0 $0x0  }
0x2b: {  	[sflag:s7] =	ssyncset.done $0x0;
	s14 =	sshll.u32 s14, $0xB  }
0x2c: {  	[sflag:s7] =	ssyncadd.s32 $0xFFFFF800;
	(ifvalue) =	ssetifvalue $0x7FFFFFFF;
	v0 =	vld.msk [tilespmem:s14+$0x0 ss:$0x1], $0xffff;
	_ =	sdelay $0x4  }
0x2d: {  	s15 =	sadd.s32 $0x10, s14;
	vm1 =	vgt.s32 v0, $0x0  }
0x2e: {  	v2 =	vld.msk [tilespmem:s15+$0x0 ss:$0x1], $0xffff;
	v1 =	vnsel vm1, $0x0, v0  }
0x2f: {  	v1 =	vmin.u32 v1, $0x11161;
	_ =	sdelay $0x1  }
0x30: {  	s16 =	sshll.u32 s12, $0xB;
	s18 =	simm.s32 $0x20  }
0x31: {  	s16 =	sand.u32 $0x800, s16;
	s17 =	sadd.s32 $0x10, s15;
	s15 =	sor.u32 $0x1000, s14  }
0x32: {  	s14 =	sor.u32 $0x1000, s16;
	s16 =	sadd.s32 $0x10, s15;
	v0 =	vld.msk [tilespmem:s17+$0x0 ss:$0x1], $0xffff;
	vm1 =	vgt.s32 v2, $0x0;
	(ifvalue) =	ssetifvalue $0x7FFFFFFF  }
.LBB2_3:
0x33: {  	[tilespmem:s15], [sflag:$0x1] =	stream.indirect_vreg.gather [hbm4b:s2+s10], $0x1, v1, vm0, $0x4038;
	[tilespmem:$0x2000] =	vst v63  }
0x34: {  	s18 =	sadd.s32 $0x10, s18  }
0x35: {  	v2 =	vnsel vm1, $0x0, v2;
	p1 =	slt.u32 s18, $0x7F0  }
.Ltmp3:
0x36: {  	s15 =	smov.u32 s16;
	v1 =	vmin.u32 v2, $0x11161;
	(pc) =	sbr.rel @p1 .LBB2_3-.Ltmp3, $3  }
0x37: {  	_ =	sdelay $0x1  }
0x38: {  	s17 =	sadd.s32 $0x10, s17  }
0x39: {  	vm1 =	vgt.s32 v0, $0x0;
	s16 =	sadd.s32 $0x10, s16;
	v2 =	vmov v0;
	(ifvalue) =	ssetifvalue $0x7FFFFFFF;
	v0 =	vld.msk [tilespmem:s17+$0x0 ss:$0x1], $0xffff  }
.Ltmp4:
0x3a: {  	_ = 	snop;
	(pc) =	sbr.rel .LBB2_4-.Ltmp4, $1  }
0x3b: {  	_ =	sdelay $0x3  }
.LBB2_6:
0x3c: {  	_ =	sfence.sel $0x180000  }
0x3d: {  	s2 =	simm.s32 $0x2;
	[bflag:$0x0] =	sbarrier.arrive $0xFFFF  }
0x3e: {  	s30 =	simm.s32 $0x3;
	[sflag:s2] =	ssyncpa.u1 $0x1  }
0x3f: {  	s31 =	simm.s32 $0x1;
	[sflag:s30] =	ssyncpa.u1 $0x1  }
0x40: {  	[sflag:s31] =	ssyncpa.u1 $0x1  }
0x41: {  	p0 =	sne.s32 s0, $0x0;
	_ =	strace $0x9000004D  }
0x42: {  	s0 =	sadd.s32 @!p0 $0x100000, s1;
	[bflag:$0x2] =	sbarrier.arrive $0xFFFF  }
0x43: {  	[sflag:s0] =	ssyncadd.tile.s32 @!p0 $0x1;
	_ =	shalt  }
.Lfunc_end2:
_tile_overlayer_lowered:
.L_overlay_start_2:
0x44: {  	(tag) =	ssettag $0x2  }
0x45: {  	s0 =	rddreg [dreg:$0x0];
	s2 =	stileid.u32  }
0x46: {  	s1 =	rddreg [dreg:$0x1];
	p0 =	sne.s32 s2, $0x0  }
0x47: {  	s3 =	rddreg [dreg:$0x2];
	[bflag:$0x3] =	sbarrier.arrive $0xFFFF;
	s2 =	simm.s32 @!p0 $0x1C01  }
0x48: {  	[timem:s3], [sflag:s2] =	dma.local @!p0 [hbm:s0], s1  }
0x49: {  	s0 =	simm.s32 @!p0 $0x1  }
0x4a: {  	_ =	swait.ge @!p0 [sflag:s0], s1  }
0x4b: {  	s1 =	ssub.s32 @!p0 $0x0, s1;
	[sflag:s0] =	ssyncset.done @!p0 $0x0  }
0x4c: {  	[sflag:s0] =	ssyncadd.s32 @!p0 s1  }
0x4d: {  	[bflag:$0x3] =	sbarrier.arrive $0xFFFF  }
0x4e: {  	_ =	shalt  }

// kernel: gather_offload_async_start.3
scs
__scs_entry_jumppad:
0x0: {  	(pc) =	sbr.rel $0x88, $3  }
0x1: {  	(tag) =	ssettag $0x0;
	lr =	simm.s32 $0x1  }
0x2: {  	[smem:$0x3F98] =	sst lr;
	_ =	strace $0xD0000000  }
0x3: {  	_ = 	snop  }
0x4: {  	_ = 	snop  }
0x5: {  	_ = 	snop  }
0x6: {  	_ = 	snop  }
0x7: {  	_ = 	snop  }
__scs_overlays_trampoline_lowered:
0x8: {  	[smem:$0x3FA7] =	sst s0  }
0x9: {  	[smem:$0x3FA8] =	sst s1  }
0xa: {  	[smem:$0x3FA9] =	sst s2  }
0xb: {  	[smem:$0x3FAA] =	sst s3  }
0xc: {  	[smem:$0x3FAB] =	sst s4  }
0xd: {  	[smem:$0x3FAC] =	sst s5  }
0xe: {  	[smem:$0x3FAD] =	sst s6  }
0xf: {  	[smem:$0x3FAE] =	sst s7  }
0x10: {  	[smem:$0x3FAF] =	sst s8  }
0x11: {  	[smem:$0x3FB0] =	sst s9;
	s0 =	simm.s32 @!p0 $0x0  }
0x12: {  	s1 =	sld [smem:$0x3F96];
	s0 =	simm.s32 @p0 $0x1  }
0x13: {  	[smem:$0x3FB1] =	sst s0;
	s0 =	simm.s32 @!p1 $0x0  }
0x14: {  	s2 =	sld [smem:$0x3F95];
	s0 =	simm.s32 @p1 $0x1  }
0x15: {  	[smem:$0x3FB2] =	sst s0;
	s0 =	simm.s32 @!p2 $0x0  }
0x16: {  	s3 =	sld [smem:$0x3FDB];
	s0 =	simm.s32 @p2 $0x1  }
0x17: {  	s4 =	simm.s32 $0x1BF5;
	[smem:$0x3FB4] =	sst s0  }
0x18: {  	s0 =	sld [smem:$0x3F97];
	_ =	swait.ge [sflag:s4], $0x0  }
0x19: {  	s7 =	sld [smem:$0x3F98]  }
0x1a: {  	s8 =	sadd.s32 $0xFFFFE003, lr  }
0x1b: {  	s9 =	sadd.s32 $0xFFFFFEF7, lr;
	s5 =	simm.s32 $0xFFFFFFFF;
	p2 =	slt.u32 s8, $0xFFFFF086  }
0x1c: {  	p1 =	slt.u32 s9, $0xF7A;
	s5 =	simm.s32 @!p2 $0x0  }
0x1d: {  	s5 =	simm.s32 @p1 $0x1;
	p0 =	seq.s32 s7, s2  }
0x1e: {  	s7 =	smul.u32 @!p0 $0xF7A, s2;
	p2 =	seq.s32 @!p0 s5, $0x0  }
0x1f: {  	s9 =	smul.u32 $0xF7A, s1;
	s8 =	simm.s32 @!p0 $0x1BF5;
	p2 =	por !p2, p0  }
0x20: {  	[sflag:s8] =	ssyncset.s32 @!p0 $0xFFFFF086;
	s6 =	sadd.s32 @!p0 s3, s7;
	s7 =	simm.s32 @!p0 $0x108  }
0x21: {  	s3 =	sadd.s32 s3, s9;
	s6 =	sadd.s32 @!p0 $0x88, s6;
	s7 =	simm.s32 @p2 $0x1082  }
0x22: {  	[simem:s7], [sflag:s8] =	dma.local @!p0 [hbm:s6], $0xF7A  }
0x23: {  	s9 =	sor.u32 $0xD0000000, s2;
	s6 =	simm.s32 $0x108;
	_ =	swait.ge @!p0 [sflag:s8], $0x0  }
0x24: {  	s3 =	sadd.s32 $0x88, s3;
	s6 =	simm.s32 @!p1 $0x1082;
	[sflag:s4] =	ssyncset.s32 $0xFFFFF086  }
0x25: {  	[simem:s6], [sflag:s4] =	dma.local [hbm:s3], $0xF7A  }
0x26: {  	[smem:$0x3F98] =	sst s1;
	(tag) =	ssettag s2;
	_ =	strace s9  }
0x27: {  	s1 =	sld [smem:$0x3FA8]  }
0x28: {  	s2 =	sld [smem:$0x3FA9]  }
0x29: {  	s4 =	sld [smem:$0x3FAB]  }
0x2a: {  	p0 =	seq.s32 s5, $0x0;
	s5 =	sld [smem:$0x3FAC]  }
0x2b: {  	s6 =	sld [smem:$0x3FAD]  }
0x2c: {  	s7 =	sld [smem:$0x3FAE]  }
0x2d: {  	s3 =	simm.s32 $0x108;
	s8 =	sld [smem:$0x3FAF]  }
0x2e: {  	s3 =	simm.s32 @!p0 $0x1082;
	s9 =	sld [smem:$0x3FB0]  }
0x2f: {  	lr =	sadd.s32 s0, s3;
	s0 =	sld [smem:$0x3FA7]  }
0x30: {  	s3 =	sld [smem:$0x3FAA]  }
0x31: {  	[smem:$0x3FB3] =	sst s10  }
0x32: {  	s10 =	sld [smem:$0x3FB1];
	_ =	sdelay $0x3  }
0x33: {  	p0 =	seq.s32 s10, $0x1;
	s10 =	sld [smem:$0x3FB3];
	_ =	sdelay $0x3  }
0x34: {  	[smem:$0x3FB3] =	sst s10  }
0x35: {  	s10 =	sld [smem:$0x3FB2];
	_ =	sdelay $0x3  }
0x36: {  	p1 =	seq.s32 s10, $0x1;
	s10 =	sld [smem:$0x3FB3];
	_ =	sdelay $0x3  }
0x37: {  	[smem:$0x3FB3] =	sst s10  }
0x38: {  	s10 =	sld [smem:$0x3FB4]  }
0x39: {  	_ = 	snop;
	(pc) =	sbr.ind lr, $3  }
0x3a: {  	_ = 	snop  }
0x3b: {  	_ = 	snop  }
0x3c: {  	p2 =	seq.s32 s10, $0x1;
	s10 =	sld [smem:$0x3FB3]  }
0x3d: {  	_ =	shalt  }
0x3e: {  	_ =	shalt  }
0x3f: {  	_ =	shalt  }
0x40: {  	_ =	shalt  }
0x41: {  	_ =	shalt  }
0x42: {  	_ =	shalt  }
0x43: {  	_ =	shalt  }
0x44: {  	_ =	shalt  }
0x45: {  	_ =	shalt  }
0x46: {  	_ =	shalt  }
0x47: {  	_ =	shalt  }
0x48: {  	_ =	shalt  }
0x49: {  	_ =	shalt  }
0x4a: {  	_ =	shalt  }
0x4b: {  	_ =	shalt  }
0x4c: {  	_ =	shalt  }
0x4d: {  	_ =	shalt  }
0x4e: {  	_ =	shalt  }
0x4f: {  	_ =	shalt  }
0x50: {  	_ =	shalt  }
0x51: {  	_ =	shalt  }
0x52: {  	_ =	shalt  }
0x53: {  	_ =	shalt  }
0x54: {  	_ =	shalt  }
0x55: {  	_ =	shalt  }
0x56: {  	_ =	shalt  }
0x57: {  	_ =	shalt  }
0x58: {  	_ =	shalt  }
0x59: {  	_ =	shalt  }
0x5a: {  	_ =	shalt  }
0x5b: {  	_ =	shalt  }
0x5c: {  	_ =	shalt  }
0x5d: {  	_ =	shalt  }
0x5e: {  	_ =	shalt  }
0x5f: {  	_ =	shalt  }
0x60: {  	_ =	shalt  }
0x61: {  	_ =	shalt  }
0x62: {  	_ =	shalt  }
0x63: {  	_ =	shalt  }
0x64: {  	_ =	shalt  }
0x65: {  	_ =	shalt  }
0x66: {  	_ =	shalt  }
0x67: {  	_ =	shalt  }
0x68: {  	_ =	shalt  }
0x69: {  	_ =	shalt  }
0x6a: {  	_ =	shalt  }
0x6b: {  	_ =	shalt  }
0x6c: {  	_ =	shalt  }
0x6d: {  	_ =	shalt  }
0x6e: {  	_ =	shalt  }
0x6f: {  	_ =	shalt  }
0x70: {  	_ =	shalt  }
0x71: {  	_ =	shalt  }
0x72: {  	_ =	shalt  }
0x73: {  	_ =	shalt  }
0x74: {  	_ =	shalt  }
0x75: {  	_ =	shalt  }
0x76: {  	_ =	shalt  }
0x77: {  	_ =	shalt  }
0x78: {  	_ =	shalt  }
0x79: {  	_ =	shalt  }
0x7a: {  	_ =	shalt  }
0x7b: {  	_ =	shalt  }
0x7c: {  	_ =	shalt  }
0x7d: {  	_ =	shalt  }
0x7e: {  	_ =	shalt  }
0x7f: {  	_ =	shalt  }
0x80: {  	_ =	shalt  }
0x81: {  	_ =	shalt  }
0x82: {  	_ =	shalt  }
0x83: {  	_ =	shalt  }
0x84: {  	_ =	shalt  }
0x85: {  	_ =	shalt  }
0x86: {  	_ =	shalt  }
0x87: {  	_ =	shalt  }
.Lfunc_end0:
.L_simem_size_0:
called_computation.3_lowered:
.L_overlay_start_0:
0x88: {  	s2 =	sld [smem:$0x3FD9]  }
0x89: {  	s3 =	sld [smem:$0x3FFE];
	_ =	sdelay $0x1  }
0x8a: {  	s1 =	srdreg.scid  }
0x8b: {  	s0 =	sand.u32 $0x1, s1  }
0x8c: {  	s17 =	sshll.u32 s0, $0xA;
	s2 =	sadd.s32 s3, s2  }
0x8d: {  	s2 =	sadd.s32 s2, s17  }
0x8e: {  	[smem:$0x3FBF] =	sst s2  }
0x8f: {  	_ = 	snop  }
0x90: {  	s18 =	sld [smem:$0x3FC5];
	(tm) =	ssettm $0x1  }
0x91: {  	s19 =	sld [smem:$0x3FFB];
	_ =	sdelay $0x3  }
0x92: {  	_ =	strace s19  }
0x93: {  	s2 =	sld [smem:$0x3FFC];
	_ =	sdelay $0x3  }
0x94: {  	_ =	strace s2  }
0x95: {  	s2 =	sld [smem:$0x3FFD];
	_ =	sdelay $0x3  }
0x96: {  	_ =	strace s2  }
0x97: {  	_ =	strace $0x8FFFFFFF  }
0x98: {  	s20 =	sld [smem:$0x3FDB];
	_ =	sdelay $0x1  }
0x99: {  	s4 =	simm.s32 $_scs_section_size  }
0x9a: {  	s5 =	simm.s32 $_size__tile_overlayer_lowered;
	s6 =	simm.s32 $_tile_overlayer_lowered  }
0x9b: {  	s7 =	simm.s32 $0x1BFF;
	s21 =	sshll.u32 s6, $0x1;
	s4 =	sadd.s32 s4, s20  }
0x9c: {  	s22 =	simm.s32 $0x0;
	s5 =	sshll.u32 s5, $0x1;
	s6 =	sadd.s32 s21, s4  }
0x9d: {  	[timem:s22], [sflag:s7] =	dma.local [hbm:s6], s5  }
0x9e: {  	_ =	swait.ge [sflag:s7], s5  }
0x9f: {  	s5 =	ssub.s32 $0x0, s5;
	[sflag:s7] =	ssyncset.done $0x0  }
0xa0: {  	[sflag:s7] =	ssyncadd.s32 s5;
	_ =	sdelay $0x1  }
0xa1: {  	s23 =	simm.s32 $0x1B8B  }
0xa2: {  	_ =	swait.ge [sflag:s23], $0x1  }
0xa3: {  	[sflag:s23] =	ssyncset.done $0x0  }
0xa4: {  	[sflag:s23] =	ssyncadd.s32 $0xFFFFFFFF  }
0xa5: {  	s5 =	sld [smem:$0x0]  }
0xa6: {  	s6 =	sand.u32 $0xFFFFFFFE, s1  }
0xa7: {  	p0 =	sne.s32 s1, s6  }
0xa8: {  	s6 =	sshll.u32 @p0 s6, $0xE  }
0xa9: {  	s6 =	sadd.s32 @p0 $0x11B8D, s6;
	s7 =	sshll.u32 @p0 s5, $0x11  }
0xaa: {  	s6 =	sor.u32 @p0 s7, s6  }
0xab: {  	[sflag:s6] =	ssyncadd.remote.s32 @p0 $0x1;
	_ =	sdelay $0x1  }
0xac: {  	s6 =	simm.s32 @p0 $0x1B8D  }
0xad: {  	_ =	swait.eq @p0 [sflag:s6], $0x1  }
0xae: {  	[sflag:s6] =	ssyncadd.s32 @p0 $0xFFFFFFFF  }
0xaf: {  	s7 =	sshll.u32 @!p0 s1, $0xE  }
0xb0: {  	s7 =	sor.u32 @!p0 $0x4000, s7;
	s6 =	simm.s32 @!p0 $0x1B8D  }
0xb1: {  	s5 =	sshll.u32 @!p0 s5, $0x11;
	s7 =	sadd.s32 @!p0 $0x11B8D, s7;
	_ =	swait.eq @!p0 [sflag:s6], $0x1  }
0xb2: {  	s5 =	sor.u32 @!p0 s5, s7;
	[sflag:s6] =	ssyncadd.s32 @!p0 $0xFFFFFFFF  }
0xb3: {  	s25 =	simm.s32 $0x1B8E;
	s24 =	sld [smem:$0x3FFE];
	[sflag:s5] =	ssyncadd.remote.s32 @!p0 $0x1  }
0xb4: {  	s26 =	simm.s32 $execute0_lowered;
	[smem:$0x3FD2] =	sst s25  }
0xb5: {  	s6 =	sshll.u32 s26, $0x1;
	_ =	strace $0x8000004F;
	[dreg:$0x1] =	wrdreg $0xFFFFFFFF  }
0xb6: {  	s28 =	simm.s32 $_size_execute0_lowered;
	s4 =	sadd.s32 s4, s6;
	[dreg:$0x0] =	wrdreg $0x0  }
0xb7: {  	s6 =	sshll.u32 s28, $0x1;
	[dreg:$0x2] =	wrdreg s4  }
0xb8: {  	[dreg:$0x3] =	wrdreg s6  }
0xb9: {  	[dreg:$0x4] =	wrdreg $0xC0  }
0xba: {  	_ =	task [dreg:s22], $0x5FFFF  }
0xbb: {  	[dreg:$0x1] =	wrdreg $0xFFFFFFFF  }
0xbc: {  	[dreg:$0x0] =	wrdreg $0x60  }
0xbd: {  	[dreg:$0x2] =	wrdreg s18  }
0xbe: {  	[dreg:$0x3] =	wrdreg s24  }
0xbf: {  	[dreg:$0x4] =	wrdreg $0xA  }
0xc0: {  	_ =	task.clear_ibuf [dreg:s22], $0x5FFFF;
	_ =	strace $0x9000004F  }
0xc1: {  	s29 =	simm.s32 $0xA;
	_ =	strace $0x80000051  }
0xc2: {  	_ =	swait.ge [sflag:s29], $0x1  }
0xc3: {  	[sflag:s29] =	ssyncadd.s32 $0xFFFFFFFF  }
0xc4: {  	_ =	strace $0x90000051  }
0xc5: {  	_ =	sfence  }
0xc6: {  	s30 =	sld [smem:$0x0];
	_ =	sdelay $0x2  }
0xc7: {  	s31 =	sshll.u32 s1, $0xD;
	s1 =	sshrl.u32 s1, $0x2  }
0xc8: {  	s4 =	sand.u32 $0x4000, s31;
	s1 =	sadd.s32 s1, s30  }
0xc9: {  	s0 =	sor.u32 s4, s0;
	s1 =	sshll.u32 s1, $0x11  }
0xca: {  	s0 =	sor.u32 s1, s0  }
0xcb: {  	s0 =	sadd.s32 $0x8F2B, s0  }
0xcc: {  	[sflag:s0] =	ssyncadd.remote.s32 $0x1  }
0xcd: {  	_ =	sfence.sel $0xFFFF  }
0xce: {  	[dreg:$0x0] =	wrdreg $0xFFFFFFFF;
	(pc) =	sbr.abs _section_cstart, $3  }
0xcf: {  	[dreg:$0x1] =	wrdreg $0xFFFFFFFF  }
0xd0: {  	_ =	task.clear_ibuf [dreg:s22], $0x2FFFF;
	_ =	strace $0x9FFFFFFF  }
0xd1: {  	(tm) =	ssettm $0x7FFFFFFF  }
tec
execute0_lowered:
.L_overlay_start_1:
0x0: {  	(tag) =	ssettag $0x1  }
0x1: {  	s1 =	srdreg.scid;
	s2 =	rddreg [dreg:$0x0]  }
0x2: {  	s0 =	stileid.u32;
	s5 =	rddreg [dreg:$0x1];
	s6 =	simm.s32 $0x1  }
0x3: {  	s9 =	simm.s32 $0x1;
	s10 =	simm.s32 $0x3;
	s1 =	sshll.u32 s1, $0xB  }
0x4: {  	s13 =	simm.s32 $0x0;
	s3 =	sshll.u32 s0, $0xC;
	s4 =	sand.u32 $0x800, s1  }
0x5: {  	s12 =	simm.s32 $0x0;
	s1 =	rddreg [dreg:$0x2];
	s3 =	sor.u32 s3, s4  }
0x6: {  	_ =	strace $0x80000050;
	s4 =	sadd.s32 $0x6600, s5;
	s8 =	ssub.s32 $0x14000, s3  }
.Ltmp0:
0x7: {  	s5 =	sadd.s32 $0xDE00, s5;
	s7 =	sand.u32 $0xF800, s8;
	(pc) =	sbr.rel .LBB2_1-.Ltmp0, $4  }
0x8: {  	[sflag:s6] =	ssyncpa.u1 $0x0;
	s11 =	smov.u32 s3;
	p0 =	sne.s32 s7, $0x0  }
0x9: {  	s8 =	sshrl.u32 s8, $0x10;
	s7 =	simm.s32 $0x2;
	s9 =	simm.s32 @!p0 $0x0  }
0xa: {  	[sflag:s7] =	ssyncpa.u1 $0x0;
	p0 =	por $0x0, $0x0;
	s8 =	sadd.s32 s9, s8  }
0xb: {  	vm0 =	vmmov $0xffff;
	[sflag:s10] =	ssyncpa.u1 $0x0;
	s10 =	simm.s32 $0x0;
	s9 =	sadd.s32 $0x1, s8  }
.LBB2_4:
0xc: {  	v2 =	vnsel vm1, $0x0, v2  }
0xd: {  	vm1 =	vgt.s32 v0, $0x0;
	v2 =	vmin.u32 v2, $0x11161  }
0xe: {  	v0 =	vnsel vm1, $0x0, v0  }
0xf: {  	v0 =	vmin.u32 v0, $0x11161  }
0x10: {  	[tilespmem:s15], [sflag:$0x1] =	stream.indirect_vreg.gather [hbm4b:s2+s10], $0x1, v1, vm0, $0x4038;
	[tilespmem:$0x2000] =	vst v63  }
0x11: {  	(ifvalue) =	ssetifvalue $0x7FFFFFFF  }
0x12: {  	[tilespmem:s16], [sflag:$0x1] =	stream.indirect_vreg.gather [hbm4b:s2+s10], $0x1, v2, vm0, $0x4038;
	[tilespmem:$0x2000] =	vst v63  }
0x13: {  	s29 =	sadd.s32 $0x10, s16;
	(ifvalue) =	ssetifvalue $0x7FFFFFFF  }
0x14: {  	[tilespmem:s29], [sflag:$0x1] =	stream.indirect_vreg.gather [hbm4b:s2+s10], $0x1, v0, vm0, $0x4038;
	[tilespmem:$0x2000] =	vst v63  }
0x15: {  	_ =	swait.ge [sflag:s6], $0x800  }
0x16: {  	s30 =	sshrl.u32 s13, $0x3;
	[sflag:s6] =	ssyncset.done $0x0  }
0x17: {  	s31 =	sand.u32 $0x7, s13;
	s15 =	sadd.s32 s5, s30;
	[sflag:s6] =	ssyncadd.s32 $0xFFFFF800  }
0x18: {  	[hbm4b:s15+s31] =	stream.linear.scatter [tilespmem:s14], [sflag:$0x3], $0x800, $0x38;
	[tilespmem:$0x2000] =	vst v63  }
.LBB2_5:
0x19: {  	s15 =	sadd.s32 $0x10000, s11  }
0x1a: {  	p2 =	sgt.s32 s15, $0x13FFF  }
0x1b: {  	s15 =	smov.u32 @p2 s3;
	p2 =	sne.s32 s12, s9  }
.Ltmp1:
0x1c: {  	p1 =	slt.u32 s12, $0x2;
	(pc) =	sbr.rel @!p2 .LBB2_6-.Ltmp1, $4  }
0x1d: {  	s14 =	simm.s32 @!p1 $0x3  }
0x1e: {  	s16 =	sadd.s32 $0x1, s12;
	_ =	swait.ge @!p1 [sflag:s14], $0x800  }
0x1f: {  	s13 =	smov.u32 s11;
	p0 =	por !p0, !p0;
	[sflag:s14] =	ssyncset.done @!p1 $0x0  }
0x20: {  	s12 =	smov.u32 s16;
	s11 =	smov.u32 s15;
	[sflag:s14] =	ssyncadd.s32 @!p1 $0xFFFFF800  }
.LBB2_1:
0x21: {  	p1 =	sge.u32 s12, s8  }
0x22: {  	s14 =	sxor.u32 @!p1 $0xFFFFFFFF, s12  }
0x23: {  	s31 =	sadd.s32 $0xFFFFFFFF, s12;
	s15 =	sshrl.u32 @!p1 s11, $0x3;
	s14 =	sshll.u32 @!p1 s14, $0xB  }
0x24: {  	s16 =	sand.u32 @!p1 $0x7, s11;
	s15 =	sadd.s32 @!p1 s4, s15;
	s14 =	sand.u32 @!p1 $0x800, s14  }
0x25: {  	[tilespmem:s14], [sflag:$0x2] =	stream.linear.gather @!p1 [hbm4b:s15+s16], $0x800, $0x38;
	[tilespmem:$0x2000] =	vst v63  }
0x26: {  	p1 =	sge.u32 s31, s8  }
.Ltmp2:
0x27: {  	_ = 	snop;
	(pc) =	sbr.rel @p1 .LBB2_5-.Ltmp2, $1  }
0x28: {  	_ =	sdelay $0x3  }
0x29: {  	s14 =	simm.s32 $0x1  }
0x2a: {  	_ =	swait.ge [sflag:s7], $0x800;
	s14 =	simm.s32 @!p0 $0x0  }
0x2b: {  	[sflag:s7] =	ssyncset.done $0x0;
	s14 =	sshll.u32 s14, $0xB  }
0x2c: {  	[sflag:s7] =	ssyncadd.s32 $0xFFFFF800;
	(ifvalue) =	ssetifvalue $0x7FFFFFFF;
	v0 =	vld.msk [tilespmem:s14+$0x0 ss:$0x1], $0xffff;
	_ =	sdelay $0x4  }
0x2d: {  	s15 =	sadd.s32 $0x10, s14;
	vm1 =	vgt.s32 v0, $0x0  }
0x2e: {  	v2 =	vld.msk [tilespmem:s15+$0x0 ss:$0x1], $0xffff;
	v1 =	vnsel vm1, $0x0, v0  }
0x2f: {  	v1 =	vmin.u32 v1, $0x11161;
	_ =	sdelay $0x1  }
0x30: {  	s16 =	sshll.u32 s12, $0xB;
	s18 =	simm.s32 $0x20  }
0x31: {  	s16 =	sand.u32 $0x800, s16;
	s17 =	sadd.s32 $0x10, s15;
	s15 =	sor.u32 $0x1000, s14  }
0x32: {  	s14 =	sor.u32 $0x1000, s16;
	s16 =	sadd.s32 $0x10, s15;
	v0 =	vld.msk [tilespmem:s17+$0x0 ss:$0x1], $0xffff;
	vm1 =	vgt.s32 v2, $0x0;
	(ifvalue) =	ssetifvalue $0x7FFFFFFF  }
.LBB2_3:
0x33: {  	[tilespmem:s15], [sflag:$0x1] =	stream.indirect_vreg.gather [hbm4b:s2+s10], $0x1, v1, vm0, $0x4038;
	[tilespmem:$0x2000] =	vst v63  }
0x34: {  	s18 =	sadd.s32 $0x10, s18  }
0x35: {  	v2 =	vnsel vm1, $0x0, v2;
	p1 =	slt.u32 s18, $0x7F0  }
.Ltmp3:
0x36: {  	s15 =	smov.u32 s16;
	v1 =	vmin.u32 v2, $0x11161;
	(pc) =	sbr.rel @p1 .LBB2_3-.Ltmp3, $3  }
0x37: {  	_ =	sdelay $0x1  }
0x38: {  	s17 =	sadd.s32 $0x10, s17  }
0x39: {  	vm1 =	vgt.s32 v0, $0x0;
	s16 =	sadd.s32 $0x10, s16;
	v2 =	vmov v0;
	(ifvalue) =	ssetifvalue $0x7FFFFFFF;
	v0 =	vld.msk [tilespmem:s17+$0x0 ss:$0x1], $0xffff  }
.Ltmp4:
0x3a: {  	_ = 	snop;
	(pc) =	sbr.rel .LBB2_4-.Ltmp4, $1  }
0x3b: {  	_ =	sdelay $0x3  }
.LBB2_6:
0x3c: {  	_ =	sfence.sel $0x180000  }
0x3d: {  	s2 =	simm.s32 $0x2;
	[bflag:$0x0] =	sbarrier.arrive $0xFFFF  }
0x3e: {  	s30 =	simm.s32 $0x3;
	[sflag:s2] =	ssyncpa.u1 $0x1  }
0x3f: {  	s31 =	simm.s32 $0x1;
	[sflag:s30] =	ssyncpa.u1 $0x1  }
0x40: {  	[sflag:s31] =	ssyncpa.u1 $0x1  }
0x41: {  	p0 =	sne.s32 s0, $0x0;
	_ =	strace $0x90000050  }
0x42: {  	s0 =	sadd.s32 @!p0 $0x100000, s1;
	[bflag:$0x2] =	sbarrier.arrive $0xFFFF  }
0x43: {  	[sflag:s0] =	ssyncadd.tile.s32 @!p0 $0x1;
	_ =	shalt  }
.Lfunc_end2:
_tile_overlayer_lowered:
.L_overlay_start_2:
0x44: {  	(tag) =	ssettag $0x2  }
0x45: {  	s0 =	rddreg [dreg:$0x0];
	s2 =	stileid.u32  }
0x46: {  	s1 =	rddreg [dreg:$0x1];
	p0 =	sne.s32 s2, $0x0  }
0x47: {  	s3 =	rddreg [dreg:$0x2];
	[bflag:$0x3] =	sbarrier.arrive $0xFFFF;
	s2 =	simm.s32 @!p0 $0x1C01  }
0x48: {  	[timem:s3], [sflag:s2] =	dma.local @!p0 [hbm:s0], s1  }
0x49: {  	s0 =	simm.s32 @!p0 $0x1  }
0x4a: {  	_ =	swait.ge @!p0 [sflag:s0], s1  }
0x4b: {  	s1 =	ssub.s32 @!p0 $0x0, s1;
	[sflag:s0] =	ssyncset.done @!p0 $0x0  }
0x4c: {  	[sflag:s0] =	ssyncadd.s32 @!p0 s1  }
0x4d: {  	[bflag:$0x3] =	sbarrier.arrive $0xFFFF  }
0x4e: {  	_ =	shalt  }

// kernel: gather_offload_async_start
scs
__scs_entry_jumppad:
0x0: {  	(pc) =	sbr.rel $0x88, $3  }
0x1: {  	(tag) =	ssettag $0x0;
	lr =	simm.s32 $0x1  }
0x2: {  	[smem:$0x3F98] =	sst lr;
	_ =	strace $0xD0000000  }
0x3: {  	_ = 	snop  }
0x4: {  	_ = 	snop  }
0x5: {  	_ = 	snop  }
0x6: {  	_ = 	snop  }
0x7: {  	_ = 	snop  }
__scs_overlays_trampoline_lowered:
0x8: {  	[smem:$0x3FA7] =	sst s0  }
0x9: {  	[smem:$0x3FA8] =	sst s1  }
0xa: {  	[smem:$0x3FA9] =	sst s2  }
0xb: {  	[smem:$0x3FAA] =	sst s3  }
0xc: {  	[smem:$0x3FAB] =	sst s4  }
0xd: {  	[smem:$0x3FAC] =	sst s5  }
0xe: {  	[smem:$0x3FAD] =	sst s6  }
0xf: {  	[smem:$0x3FAE] =	sst s7  }
0x10: {  	[smem:$0x3FAF] =	sst s8  }
0x11: {  	[smem:$0x3FB0] =	sst s9;
	s0 =	simm.s32 @!p0 $0x0  }
0x12: {  	s1 =	sld [smem:$0x3F96];
	s0 =	simm.s32 @p0 $0x1  }
0x13: {  	[smem:$0x3FB1] =	sst s0;
	s0 =	simm.s32 @!p1 $0x0  }
0x14: {  	s2 =	sld [smem:$0x3F95];
	s0 =	simm.s32 @p1 $0x1  }
0x15: {  	[smem:$0x3FB2] =	sst s0;
	s0 =	simm.s32 @!p2 $0x0  }
0x16: {  	s3 =	sld [smem:$0x3FDB];
	s0 =	simm.s32 @p2 $0x1  }
0x17: {  	s4 =	simm.s32 $0x1BF5;
	[smem:$0x3FB4] =	sst s0  }
0x18: {  	s0 =	sld [smem:$0x3F97];
	_ =	swait.ge [sflag:s4], $0x0  }
0x19: {  	s7 =	sld [smem:$0x3F98]  }
0x1a: {  	s8 =	sadd.s32 $0xFFFFE003, lr  }
0x1b: {  	s9 =	sadd.s32 $0xFFFFFEF7, lr;
	s5 =	simm.s32 $0xFFFFFFFF;
	p2 =	slt.u32 s8, $0xFFFFF086  }
0x1c: {  	p1 =	slt.u32 s9, $0xF7A;
	s5 =	simm.s32 @!p2 $0x0  }
0x1d: {  	s5 =	simm.s32 @p1 $0x1;
	p0 =	seq.s32 s7, s2  }
0x1e: {  	s7 =	smul.u32 @!p0 $0xF7A, s2;
	p2 =	seq.s32 @!p0 s5, $0x0  }
0x1f: {  	s9 =	smul.u32 $0xF7A, s1;
	s8 =	simm.s32 @!p0 $0x1BF5;
	p2 =	por !p2, p0  }
0x20: {  	[sflag:s8] =	ssyncset.s32 @!p0 $0xFFFFF086;
	s6 =	sadd.s32 @!p0 s3, s7;
	s7 =	simm.s32 @!p0 $0x108  }
0x21: {  	s3 =	sadd.s32 s3, s9;
	s6 =	sadd.s32 @!p0 $0x88, s6;
	s7 =	simm.s32 @p2 $0x1082  }
0x22: {  	[simem:s7], [sflag:s8] =	dma.local @!p0 [hbm:s6], $0xF7A  }
0x23: {  	s9 =	sor.u32 $0xD0000000, s2;
	s6 =	simm.s32 $0x108;
	_ =	swait.ge @!p0 [sflag:s8], $0x0  }
0x24: {  	s3 =	sadd.s32 $0x88, s3;
	s6 =	simm.s32 @!p1 $0x1082;
	[sflag:s4] =	ssyncset.s32 $0xFFFFF086  }
0x25: {  	[simem:s6], [sflag:s4] =	dma.local [hbm:s3], $0xF7A  }
0x26: {  	[smem:$0x3F98] =	sst s1;
	(tag) =	ssettag s2;
	_ =	strace s9  }
0x27: {  	s1 =	sld [smem:$0x3FA8]  }
0x28: {  	s2 =	sld [smem:$0x3FA9]  }
0x29: {  	s4 =	sld [smem:$0x3FAB]  }
0x2a: {  	p0 =	seq.s32 s5, $0x0;
	s5 =	sld [smem:$0x3FAC]  }
0x2b: {  	s6 =	sld [smem:$0x3FAD]  }
0x2c: {  	s7 =	sld [smem:$0x3FAE]  }
0x2d: {  	s3 =	simm.s32 $0x108;
	s8 =	sld [smem:$0x3FAF]  }
0x2e: {  	s3 =	simm.s32 @!p0 $0x1082;
	s9 =	sld [smem:$0x3FB0]  }
0x2f: {  	lr =	sadd.s32 s0, s3;
	s0 =	sld [smem:$0x3FA7]  }
0x30: {  	s3 =	sld [smem:$0x3FAA]  }
0x31: {  	[smem:$0x3FB3] =	sst s10  }
0x32: {  	s10 =	sld [smem:$0x3FB1];
	_ =	sdelay $0x3  }
0x33: {  	p0 =	seq.s32 s10, $0x1;
	s10 =	sld [smem:$0x3FB3];
	_ =	sdelay $0x3  }
0x34: {  	[smem:$0x3FB3] =	sst s10  }
0x35: {  	s10 =	sld [smem:$0x3FB2];
	_ =	sdelay $0x3  }
0x36: {  	p1 =	seq.s32 s10, $0x1;
	s10 =	sld [smem:$0x3FB3];
	_ =	sdelay $0x3  }
0x37: {  	[smem:$0x3FB3] =	sst s10  }
0x38: {  	s10 =	sld [smem:$0x3FB4]  }
0x39: {  	_ = 	snop;
	(pc) =	sbr.ind lr, $3  }
0x3a: {  	_ = 	snop  }
0x3b: {  	_ = 	snop  }
0x3c: {  	p2 =	seq.s32 s10, $0x1;
	s10 =	sld [smem:$0x3FB3]  }
0x3d: {  	_ =	shalt  }
0x3e: {  	_ =	shalt  }
0x3f: {  	_ =	shalt  }
0x40: {  	_ =	shalt  }
0x41: {  	_ =	shalt  }
0x42: {  	_ =	shalt  }
0x43: {  	_ =	shalt  }
0x44: {  	_ =	shalt  }
0x45: {  	_ =	shalt  }
0x46: {  	_ =	shalt  }
0x47: {  	_ =	shalt  }
0x48: {  	_ =	shalt  }
0x49: {  	_ =	shalt  }
0x4a: {  	_ =	shalt  }
0x4b: {  	_ =	shalt  }
0x4c: {  	_ =	shalt  }
0x4d: {  	_ =	shalt  }
0x4e: {  	_ =	shalt  }
0x4f: {  	_ =	shalt  }
0x50: {  	_ =	shalt  }
0x51: {  	_ =	shalt  }
0x52: {  	_ =	shalt  }
0x53: {  	_ =	shalt  }
0x54: {  	_ =	shalt  }
0x55: {  	_ =	shalt  }
0x56: {  	_ =	shalt  }
0x57: {  	_ =	shalt  }
0x58: {  	_ =	shalt  }
0x59: {  	_ =	shalt  }
0x5a: {  	_ =	shalt  }
0x5b: {  	_ =	shalt  }
0x5c: {  	_ =	shalt  }
0x5d: {  	_ =	shalt  }
0x5e: {  	_ =	shalt  }
0x5f: {  	_ =	shalt  }
0x60: {  	_ =	shalt  }
0x61: {  	_ =	shalt  }
0x62: {  	_ =	shalt  }
0x63: {  	_ =	shalt  }
0x64: {  	_ =	shalt  }
0x65: {  	_ =	shalt  }
0x66: {  	_ =	shalt  }
0x67: {  	_ =	shalt  }
0x68: {  	_ =	shalt  }
0x69: {  	_ =	shalt  }
0x6a: {  	_ =	shalt  }
0x6b: {  	_ =	shalt  }
0x6c: {  	_ =	shalt  }
0x6d: {  	_ =	shalt  }
0x6e: {  	_ =	shalt  }
0x6f: {  	_ =	shalt  }
0x70: {  	_ =	shalt  }
0x71: {  	_ =	shalt  }
0x72: {  	_ =	shalt  }
0x73: {  	_ =	shalt  }
0x74: {  	_ =	shalt  }
0x75: {  	_ =	shalt  }
0x76: {  	_ =	shalt  }
0x77: {  	_ =	shalt  }
0x78: {  	_ =	shalt  }
0x79: {  	_ =	shalt  }
0x7a: {  	_ =	shalt  }
0x7b: {  	_ =	shalt  }
0x7c: {  	_ =	shalt  }
0x7d: {  	_ =	shalt  }
0x7e: {  	_ =	shalt  }
0x7f: {  	_ =	shalt  }
0x80: {  	_ =	shalt  }
0x81: {  	_ =	shalt  }
0x82: {  	_ =	shalt  }
0x83: {  	_ =	shalt  }
0x84: {  	_ =	shalt  }
0x85: {  	_ =	shalt  }
0x86: {  	_ =	shalt  }
0x87: {  	_ =	shalt  }
.Lfunc_end0:
.L_simem_size_0:
called_computation_lowered:
.L_overlay_start_0:
0x88: {  	s2 =	sld [smem:$0x3FD9]  }
0x89: {  	s3 =	sld [smem:$0x3FFE];
	_ =	sdelay $0x1  }
0x8a: {  	s1 =	srdreg.scid  }
0x8b: {  	s0 =	sand.u32 $0x1, s1  }
0x8c: {  	s17 =	sshll.u32 s0, $0xA;
	s2 =	sadd.s32 s3, s2  }
0x8d: {  	s2 =	sadd.s32 s2, s17  }
0x8e: {  	[smem:$0x3FBF] =	sst s2  }
0x8f: {  	_ = 	snop  }
0x90: {  	s2 =	sld [smem:$0x3FC3]  }
0x91: {  	s18 =	sld [smem:$0x3FD0];
	(tm) =	ssettm $0x1  }
0x92: {  	s4 =	sld [smem:$0x3FFB];
	_ =	sdelay $0x3  }
0x93: {  	_ =	strace s4  }
0x94: {  	s4 =	sld [smem:$0x3FFC];
	_ =	sdelay $0x3  }
0x95: {  	_ =	strace s4  }
0x96: {  	s4 =	sld [smem:$0x3FFD];
	_ =	sdelay $0x3  }
0x97: {  	_ =	strace s4  }
0x98: {  	_ =	strace $0x8FFFFFFF  }
0x99: {  	s19 =	sld [smem:$0x3FDB];
	_ =	sdelay $0x1  }
0x9a: {  	s5 =	simm.s32 $_scs_section_size  }
0x9b: {  	s6 =	simm.s32 $_size__tile_overlayer_lowered;
	s7 =	simm.s32 $_tile_overlayer_lowered  }
0x9c: {  	s22 =	simm.s32 $0x1BFF;
	s21 =	sshll.u32 s7, $0x1;
	s4 =	sadd.s32 s5, s19  }
0x9d: {  	s8 =	simm.s32 $0x0;
	s20 =	sshll.u32 s6, $0x1;
	s6 =	sadd.s32 s21, s4  }
0x9e: {  	[timem:s8], [sflag:s22] =	dma.local [hbm:s6], s20  }
0x9f: {  	_ =	swait.ge [sflag:s22], s20  }
0xa0: {  	s5 =	ssub.s32 $0x0, s20;
	[sflag:s22] =	ssyncset.done $0x0  }
0xa1: {  	[sflag:s22] =	ssyncadd.s32 s5;
	_ =	sdelay $0x1  }
0xa2: {  	s23 =	simm.s32 $0x1B8B  }
0xa3: {  	_ =	swait.ge [sflag:s23], $0x1  }
0xa4: {  	[sflag:s23] =	ssyncset.done $0x0  }
0xa5: {  	s25 =	simm.s32 $0x1B8E;
	s24 =	sld [smem:$0x3FFE];
	[sflag:s23] =	ssyncadd.s32 $0xFFFFFFFF  }
0xa6: {  	s26 =	simm.s32 $execute0_lowered;
	[smem:$0x3FD2] =	sst s25  }
0xa7: {  	s6 =	sshll.u32 s26, $0x1;
	_ =	strace $0x80000046;
	[dreg:$0x1] =	wrdreg $0xFFFFFFFF  }
0xa8: {  	s28 =	simm.s32 $_size_execute0_lowered;
	s4 =	sadd.s32 s4, s6;
	[dreg:$0x0] =	wrdreg $0x0  }
0xa9: {  	s6 =	sshll.u32 s28, $0x1;
	[dreg:$0x2] =	wrdreg s4  }
0xaa: {  	[dreg:$0x3] =	wrdreg s6  }
0xab: {  	[dreg:$0x4] =	wrdreg $0xC0  }
0xac: {  	_ =	task [dreg:s8], $0x5FFFF  }
0xad: {  	[dreg:$0x1] =	wrdreg $0xFFFFFFFF  }
0xae: {  	[dreg:$0x0] =	wrdreg $0x60  }
0xaf: {  	[dreg:$0x2] =	wrdreg s2  }
0xb0: {  	[dreg:$0x3] =	wrdreg s18  }
0xb1: {  	[dreg:$0x4] =	wrdreg s24  }
0xb2: {  	[dreg:$0x5] =	wrdreg $0x9  }
0xb3: {  	_ =	task.clear_ibuf [dreg:s8], $0x6FFFF;
	_ =	strace $0x90000046  }
0xb4: {  	s29 =	simm.s32 $0x9;
	_ =	strace $0x80000048  }
0xb5: {  	_ =	swait.ge [sflag:s29], $0x1  }
0xb6: {  	[sflag:s29] =	ssyncadd.s32 $0xFFFFFFFF  }
0xb7: {  	_ =	strace $0x90000048  }
0xb8: {  	_ =	sfence  }
0xb9: {  	s30 =	sld [smem:$0x0];
	_ =	sdelay $0x2  }
0xba: {  	s31 =	sshll.u32 s1, $0xD;
	s1 =	sshrl.u32 s1, $0x2  }
0xbb: {  	s3 =	sand.u32 $0x4000, s31;
	s1 =	sadd.s32 s1, s30  }
0xbc: {  	s0 =	sor.u32 s3, s0;
	s1 =	sshll.u32 s1, $0x11  }
0xbd: {  	s0 =	sor.u32 s1, s0  }
0xbe: {  	s0 =	sadd.s32 $0x8F2B, s0  }
0xbf: {  	[sflag:s0] =	ssyncadd.remote.s32 $0x1  }
0xc0: {  	_ =	sfence.sel $0xFFFF  }
0xc1: {  	[dreg:$0x0] =	wrdreg $0xFFFFFFFF;
	(pc) =	sbr.abs _section_cstart, $3  }
0xc2: {  	[dreg:$0x1] =	wrdreg $0xFFFFFFFF  }
0xc3: {  	_ =	task.clear_ibuf [dreg:s8], $0x2FFFF;
	_ =	strace $0x9FFFFFFF  }
0xc4: {  	(tm) =	ssettm $0x7FFFFFFF  }
0xc5: {  	_ =	shalt  }
tec
execute0_lowered:
.L_overlay_start_1:
0x0: {  	(tag) =	ssettag $0x1  }
0x1: {  	s2 =	rddreg [dreg:$0x0]  }
0x2: {  	s1 =	srdreg.scid;
	s3 =	rddreg [dreg:$0x1]  }
0x3: {  	s0 =	stileid.u32;
	s5 =	rddreg [dreg:$0x2]  }
0x4: {  	s9 =	simm.s32 $0x1;
	s10 =	simm.s32 $0x3;
	s1 =	sshll.u32 s1, $0xB  }
0x5: {  	s13 =	simm.s32 $0x0;
	s4 =	sshll.u32 s0, $0xC;
	s6 =	sand.u32 $0x800, s1  }
0x6: {  	s12 =	simm.s32 $0x0;
	s5 =	sadd.s32 $0x8E00, s5;
	s4 =	sor.u32 s4, s6  }
0x7: {  	s1 =	rddreg [dreg:$0x3];
	_ =	strace $0x80000047;
	s8 =	ssub.s32 $0x14000, s4  }
.Ltmp0:
0x8: {  	s6 =	simm.s32 $0x1;
	s7 =	sand.u32 $0xF800, s8;
	(pc) =	sbr.rel .LBB2_1-.Ltmp0, $4  }
0x9: {  	[sflag:s6] =	ssyncpa.u1 $0x0;
	s11 =	smov.u32 s4;
	p0 =	sne.s32 s7, $0x0  }
0xa: {  	s8 =	sshrl.u32 s8, $0x10;
	s7 =	simm.s32 $0x2;
	s9 =	simm.s32 @!p0 $0x0  }
0xb: {  	[sflag:s7] =	ssyncpa.u1 $0x0;
	p0 =	por $0x0, $0x0;
	s8 =	sadd.s32 s9, s8  }
0xc: {  	vm0 =	vmmov $0xffff;
	[sflag:s10] =	ssyncpa.u1 $0x0;
	s10 =	simm.s32 $0x0;
	s9 =	sadd.s32 $0x1, s8  }
.LBB2_4:
0xd: {  	v2 =	vnsel vm1, $0x0, v2  }
0xe: {  	vm1 =	vgt.s32 v0, $0x0;
	v2 =	vmin.u32 v2, $0x1115D  }
0xf: {  	v0 =	vnsel vm1, $0x0, v0  }
0x10: {  	v0 =	vmin.u32 v0, $0x1115D  }
0x11: {  	[tilespmem:s15], [sflag:$0x1] =	stream.indirect_vreg.gather [hbm4b:s2+s10], $0x1, v1, vm0, $0x4038;
	[tilespmem:$0x2000] =	vst v63  }
0x12: {  	(ifvalue) =	ssetifvalue $0x7FFFFFFF  }
0x13: {  	[tilespmem:s16], [sflag:$0x1] =	stream.indirect_vreg.gather [hbm4b:s2+s10], $0x1, v2, vm0, $0x4038;
	[tilespmem:$0x2000] =	vst v63  }
0x14: {  	s29 =	sadd.s32 $0x10, s16;
	(ifvalue) =	ssetifvalue $0x7FFFFFFF  }
0x15: {  	[tilespmem:s29], [sflag:$0x1] =	stream.indirect_vreg.gather [hbm4b:s2+s10], $0x1, v0, vm0, $0x4038;
	[tilespmem:$0x2000] =	vst v63  }
0x16: {  	_ =	swait.ge [sflag:s6], $0x800  }
0x17: {  	s30 =	sshrl.u32 s13, $0x3;
	[sflag:s6] =	ssyncset.done $0x0  }
0x18: {  	s31 =	sand.u32 $0x7, s13;
	s15 =	sadd.s32 s5, s30;
	[sflag:s6] =	ssyncadd.s32 $0xFFFFF800  }
0x19: {  	[hbm4b:s15+s31] =	stream.linear.scatter [tilespmem:s14], [sflag:$0x3], $0x800, $0x38;
	[tilespmem:$0x2000] =	vst v63  }
.LBB2_5:
0x1a: {  	s15 =	sadd.s32 $0x10000, s11  }
0x1b: {  	p2 =	sgt.s32 s15, $0x13FFF  }
0x1c: {  	s15 =	smov.u32 @p2 s4;
	p2 =	sne.s32 s12, s9  }
.Ltmp1:
0x1d: {  	p1 =	slt.u32 s12, $0x2;
	(pc) =	sbr.rel @!p2 .LBB2_6-.Ltmp1, $4  }
0x1e: {  	s14 =	simm.s32 @!p1 $0x3  }
0x1f: {  	s16 =	sadd.s32 $0x1, s12;
	_ =	swait.ge @!p1 [sflag:s14], $0x800  }
0x20: {  	s13 =	smov.u32 s11;
	p0 =	por !p0, !p0;
	[sflag:s14] =	ssyncset.done @!p1 $0x0  }
0x21: {  	s12 =	smov.u32 s16;
	s11 =	smov.u32 s15;
	[sflag:s14] =	ssyncadd.s32 @!p1 $0xFFFFF800  }
.LBB2_1:
0x22: {  	p1 =	sge.u32 s12, s8  }
0x23: {  	s14 =	sxor.u32 @!p1 $0xFFFFFFFF, s12  }
0x24: {  	s31 =	sadd.s32 $0xFFFFFFFF, s12;
	s15 =	sshrl.u32 @!p1 s11, $0x3;
	s14 =	sshll.u32 @!p1 s14, $0xB  }
0x25: {  	s16 =	sand.u32 @!p1 $0x7, s11;
	s15 =	sadd.s32 @!p1 s3, s15;
	s14 =	sand.u32 @!p1 $0x800, s14  }
0x26: {  	[tilespmem:s14], [sflag:$0x2] =	stream.linear.gather @!p1 [hbm4b:s15+s16], $0x800, $0x38;
	[tilespmem:$0x2000] =	vst v63  }
0x27: {  	p1 =	sge.u32 s31, s8  }
.Ltmp2:
0x28: {  	_ = 	snop;
	(pc) =	sbr.rel @p1 .LBB2_5-.Ltmp2, $1  }
0x29: {  	_ =	sdelay $0x3  }
0x2a: {  	s14 =	simm.s32 $0x1  }
0x2b: {  	_ =	swait.ge [sflag:s7], $0x800;
	s14 =	simm.s32 @!p0 $0x0  }
0x2c: {  	[sflag:s7] =	ssyncset.done $0x0;
	s14 =	sshll.u32 s14, $0xB  }
0x2d: {  	[sflag:s7] =	ssyncadd.s32 $0xFFFFF800;
	(ifvalue) =	ssetifvalue $0x7FFFFFFF;
	v0 =	vld.msk [tilespmem:s14+$0x0 ss:$0x1], $0xffff;
	_ =	sdelay $0x4  }
0x2e: {  	s15 =	sadd.s32 $0x10, s14;
	vm1 =	vgt.s32 v0, $0x0  }
0x2f: {  	v2 =	vld.msk [tilespmem:s15+$0x0 ss:$0x1], $0xffff;
	v1 =	vnsel vm1, $0x0, v0  }
0x30: {  	v1 =	vmin.u32 v1, $0x1115D;
	_ =	sdelay $0x1  }
0x31: {  	s16 =	sshll.u32 s12, $0xB;
	s18 =	simm.s32 $0x20  }
0x32: {  	s16 =	sand.u32 $0x800, s16;
	s17 =	sadd.s32 $0x10, s15;
	s15 =	sor.u32 $0x1000, s14  }
0x33: {  	s14 =	sor.u32 $0x1000, s16;
	s16 =	sadd.s32 $0x10, s15;
	v0 =	vld.msk [tilespmem:s17+$0x0 ss:$0x1], $0xffff;
	vm1 =	vgt.s32 v2, $0x0;
	(ifvalue) =	ssetifvalue $0x7FFFFFFF  }
.LBB2_3:
0x34: {  	[tilespmem:s15], [sflag:$0x1] =	stream.indirect_vreg.gather [hbm4b:s2+s10], $0x1, v1, vm0, $0x4038;
	[tilespmem:$0x2000] =	vst v63  }
0x35: {  	s18 =	sadd.s32 $0x10, s18  }
0x36: {  	v2 =	vnsel vm1, $0x0, v2;
	p1 =	slt.u32 s18, $0x7F0  }
.Ltmp3:
0x37: {  	s15 =	smov.u32 s16;
	v1 =	vmin.u32 v2, $0x1115D;
	(pc) =	sbr.rel @p1 .LBB2_3-.Ltmp3, $3  }
0x38: {  	_ =	sdelay $0x1  }
0x39: {  	s17 =	sadd.s32 $0x10, s17  }
0x3a: {  	vm1 =	vgt.s32 v0, $0x0;
	s16 =	sadd.s32 $0x10, s16;
	v2 =	vmov v0;
	(ifvalue) =	ssetifvalue $0x7FFFFFFF;
	v0 =	vld.msk [tilespmem:s17+$0x0 ss:$0x1], $0xffff  }
.Ltmp4:
0x3b: {  	_ = 	snop;
	(pc) =	sbr.rel .LBB2_4-.Ltmp4, $1  }
0x3c: {  	_ =	sdelay $0x3  }
.LBB2_6:
0x3d: {  	_ =	sfence.sel $0x180000  }
0x3e: {  	s2 =	simm.s32 $0x2;
	[bflag:$0x0] =	sbarrier.arrive $0xFFFF  }
0x3f: {  	s30 =	simm.s32 $0x3;
	[sflag:s2] =	ssyncpa.u1 $0x1  }
0x40: {  	s31 =	simm.s32 $0x1;
	[sflag:s30] =	ssyncpa.u1 $0x1  }
0x41: {  	[sflag:s31] =	ssyncpa.u1 $0x1  }
0x42: {  	p0 =	sne.s32 s0, $0x0;
	_ =	strace $0x90000047  }
0x43: {  	s0 =	sadd.s32 @!p0 $0x100000, s1;
	[bflag:$0x2] =	sbarrier.arrive $0xFFFF  }
0x44: {  	[sflag:s0] =	ssyncadd.tile.s32 @!p0 $0x1;
	_ =	shalt  }
.Lfunc_end2:
_tile_overlayer_lowered:
.L_overlay_start_2:
0x45: {  	(tag) =	ssettag $0x2  }
0x46: {  	s0 =	rddreg [dreg:$0x0];
	s2 =	stileid.u32  }
0x47: {  	s1 =	rddreg [dreg:$0x1];
	p0 =	sne.s32 s2, $0x0  }
0x48: {  	s3 =	rddreg [dreg:$0x2];
	[bflag:$0x3] =	sbarrier.arrive $0xFFFF;
	s2 =	simm.s32 @!p0 $0x1C01  }
0x49: {  	[timem:s3], [sflag:s2] =	dma.local @!p0 [hbm:s0], s1  }
0x4a: {  	s0 =	simm.s32 @!p0 $0x1  }
0x4b: {  	_ =	swait.ge @!p0 [sflag:s0], s1  }
0x4c: {  	s1 =	ssub.s32 @!p0 $0x0, s1;
	[sflag:s0] =	ssyncset.done @!p0 $0x0  }
0x4d: {  	[sflag:s0] =	ssyncadd.s32 @!p0 s1  }
0x4e: {  	[bflag:$0x3] =	sbarrier.arrive $0xFFFF  }
0x4f: {  	_ =	shalt  }

// kernel: kernel.6.cloned.1.call-start
scs
__scs_entry_jumppad:
0x0: {  	(pc) =	sbr.rel $0x88, $3  }
0x1: {  	(tag) =	ssettag $0x0;
	lr =	simm.s32 $0x1  }
0x2: {  	[smem:$0x3F98] =	sst lr;
	_ =	strace $0xD0000000  }
0x3: {  	_ = 	snop  }
0x4: {  	_ = 	snop  }
0x5: {  	_ = 	snop  }
0x6: {  	_ = 	snop  }
0x7: {  	_ = 	snop  }
__scs_overlays_trampoline_lowered:
0x8: {  	[smem:$0x3FA7] =	sst s0  }
0x9: {  	[smem:$0x3FA8] =	sst s1  }
0xa: {  	[smem:$0x3FA9] =	sst s2  }
0xb: {  	[smem:$0x3FAA] =	sst s3  }
0xc: {  	[smem:$0x3FAB] =	sst s4  }
0xd: {  	[smem:$0x3FAC] =	sst s5  }
0xe: {  	[smem:$0x3FAD] =	sst s6  }
0xf: {  	[smem:$0x3FAE] =	sst s7  }
0x10: {  	[smem:$0x3FAF] =	sst s8  }
0x11: {  	[smem:$0x3FB0] =	sst s9;
	s0 =	simm.s32 @!p0 $0x0  }
0x12: {  	s1 =	sld [smem:$0x3F96];
	s0 =	simm.s32 @p0 $0x1  }
0x13: {  	[smem:$0x3FB1] =	sst s0;
	s0 =	simm.s32 @!p1 $0x0  }
0x14: {  	s2 =	sld [smem:$0x3F95];
	s0 =	simm.s32 @p1 $0x1  }
0x15: {  	[smem:$0x3FB2] =	sst s0;
	s0 =	simm.s32 @!p2 $0x0  }
0x16: {  	s3 =	sld [smem:$0x3FDB];
	s0 =	simm.s32 @p2 $0x1  }
0x17: {  	s4 =	simm.s32 $0x1BF5;
	[smem:$0x3FB4] =	sst s0  }
0x18: {  	s0 =	sld [smem:$0x3F97];
	_ =	swait.ge [sflag:s4], $0x0  }
0x19: {  	s7 =	sld [smem:$0x3F98]  }
0x1a: {  	s8 =	sadd.s32 $0xFFFFE003, lr  }
0x1b: {  	s9 =	sadd.s32 $0xFFFFFEF7, lr;
	s5 =	simm.s32 $0xFFFFFFFF;
	p2 =	slt.u32 s8, $0xFFFFF086  }
0x1c: {  	p1 =	slt.u32 s9, $0xF7A;
	s5 =	simm.s32 @!p2 $0x0  }
0x1d: {  	s5 =	simm.s32 @p1 $0x1;
	p0 =	seq.s32 s7, s2  }
0x1e: {  	s7 =	smul.u32 @!p0 $0xF7A, s2;
	p2 =	seq.s32 @!p0 s5, $0x0  }
0x1f: {  	s9 =	smul.u32 $0xF7A, s1;
	s8 =	simm.s32 @!p0 $0x1BF5;
	p2 =	por !p2, p0  }
0x20: {  	[sflag:s8] =	ssyncset.s32 @!p0 $0xFFFFF086;
	s6 =	sadd.s32 @!p0 s3, s7;
	s7 =	simm.s32 @!p0 $0x108  }
0x21: {  	s3 =	sadd.s32 s3, s9;
	s6 =	sadd.s32 @!p0 $0x88, s6;
	s7 =	simm.s32 @p2 $0x1082  }
0x22: {  	[simem:s7], [sflag:s8] =	dma.local @!p0 [hbm:s6], $0xF7A  }
0x23: {  	s9 =	sor.u32 $0xD0000000, s2;
	s6 =	simm.s32 $0x108;
	_ =	swait.ge @!p0 [sflag:s8], $0x0  }
0x24: {  	s3 =	sadd.s32 $0x88, s3;
	s6 =	simm.s32 @!p1 $0x1082;
	[sflag:s4] =	ssyncset.s32 $0xFFFFF086  }
0x25: {  	[simem:s6], [sflag:s4] =	dma.local [hbm:s3], $0xF7A  }
0x26: {  	[smem:$0x3F98] =	sst s1;
	(tag) =	ssettag s2;
	_ =	strace s9  }
0x27: {  	s1 =	sld [smem:$0x3FA8]  }
0x28: {  	s2 =	sld [smem:$0x3FA9]  }
0x29: {  	s4 =	sld [smem:$0x3FAB]  }
0x2a: {  	p0 =	seq.s32 s5, $0x0;
	s5 =	sld [smem:$0x3FAC]  }
0x2b: {  	s6 =	sld [smem:$0x3FAD]  }
0x2c: {  	s7 =	sld [smem:$0x3FAE]  }
0x2d: {  	s3 =	simm.s32 $0x108;
	s8 =	sld [smem:$0x3FAF]  }
0x2e: {  	s3 =	simm.s32 @!p0 $0x1082;
	s9 =	sld [smem:$0x3FB0]  }
0x2f: {  	lr =	sadd.s32 s0, s3;
	s0 =	sld [smem:$0x3FA7]  }
0x30: {  	s3 =	sld [smem:$0x3FAA]  }
0x31: {  	[smem:$0x3FB3] =	sst s10  }
0x32: {  	s10 =	sld [smem:$0x3FB1];
	_ =	sdelay $0x3  }
0x33: {  	p0 =	seq.s32 s10, $0x1;
	s10 =	sld [smem:$0x3FB3];
	_ =	sdelay $0x3  }
0x34: {  	[smem:$0x3FB3] =	sst s10  }
0x35: {  	s10 =	sld [smem:$0x3FB2];
	_ =	sdelay $0x3  }
0x36: {  	p1 =	seq.s32 s10, $0x1;
	s10 =	sld [smem:$0x3FB3];
	_ =	sdelay $0x3  }
0x37: {  	[smem:$0x3FB3] =	sst s10  }
0x38: {  	s10 =	sld [smem:$0x3FB4]  }
0x39: {  	_ = 	snop;
	(pc) =	sbr.ind lr, $3  }
0x3a: {  	_ = 	snop  }
0x3b: {  	_ = 	snop  }
0x3c: {  	p2 =	seq.s32 s10, $0x1;
	s10 =	sld [smem:$0x3FB3]  }
0x3d: {  	_ =	shalt  }
0x3e: {  	_ =	shalt  }
0x3f: {  	_ =	shalt  }
0x40: {  	_ =	shalt  }
0x41: {  	_ =	shalt  }
0x42: {  	_ =	shalt  }
0x43: {  	_ =	shalt  }
0x44: {  	_ =	shalt  }
0x45: {  	_ =	shalt  }
0x46: {  	_ =	shalt  }
0x47: {  	_ =	shalt  }
0x48: {  	_ =	shalt  }
0x49: {  	_ =	shalt  }
0x4a: {  	_ =	shalt  }
0x4b: {  	_ =	shalt  }
0x4c: {  	_ =	shalt  }
0x4d: {  	_ =	shalt  }
0x4e: {  	_ =	shalt  }
0x4f: {  	_ =	shalt  }
0x50: {  	_ =	shalt  }
0x51: {  	_ =	shalt  }
0x52: {  	_ =	shalt  }
0x53: {  	_ =	shalt  }
0x54: {  	_ =	shalt  }
0x55: {  	_ =	shalt  }
0x56: {  	_ =	shalt  }
0x57: {  	_ =	shalt  }
0x58: {  	_ =	shalt  }
0x59: {  	_ =	shalt  }
0x5a: {  	_ =	shalt  }
0x5b: {  	_ =	shalt  }
0x5c: {  	_ =	shalt  }
0x5d: {  	_ =	shalt  }
0x5e: {  	_ =	shalt  }
0x5f: {  	_ =	shalt  }
0x60: {  	_ =	shalt  }
0x61: {  	_ =	shalt  }
0x62: {  	_ =	shalt  }
0x63: {  	_ =	shalt  }
0x64: {  	_ =	shalt  }
0x65: {  	_ =	shalt  }
0x66: {  	_ =	shalt  }
0x67: {  	_ =	shalt  }
0x68: {  	_ =	shalt  }
0x69: {  	_ =	shalt  }
0x6a: {  	_ =	shalt  }
0x6b: {  	_ =	shalt  }
0x6c: {  	_ =	shalt  }
0x6d: {  	_ =	shalt  }
0x6e: {  	_ =	shalt  }
0x6f: {  	_ =	shalt  }
0x70: {  	_ =	shalt  }
0x71: {  	_ =	shalt  }
0x72: {  	_ =	shalt  }
0x73: {  	_ =	shalt  }
0x74: {  	_ =	shalt  }
0x75: {  	_ =	shalt  }
0x76: {  	_ =	shalt  }
0x77: {  	_ =	shalt  }
0x78: {  	_ =	shalt  }
0x79: {  	_ =	shalt  }
0x7a: {  	_ =	shalt  }
0x7b: {  	_ =	shalt  }
0x7c: {  	_ =	shalt  }
0x7d: {  	_ =	shalt  }
0x7e: {  	_ =	shalt  }
0x7f: {  	_ =	shalt  }
0x80: {  	_ =	shalt  }
0x81: {  	_ =	shalt  }
0x82: {  	_ =	shalt  }
0x83: {  	_ =	shalt  }
0x84: {  	_ =	shalt  }
0x85: {  	_ =	shalt  }
0x86: {  	_ =	shalt  }
0x87: {  	_ =	shalt  }
.Lfunc_end0:
.L_simem_size_0:
called_computation.4_lowered:
.L_overlay_start_0:
0x88: {  	s2 =	sld [smem:$0x3FD9]  }
0x89: {  	s3 =	sld [smem:$0x3FFE];
	_ =	sdelay $0x1  }
0x8a: {  	s1 =	srdreg.scid  }
0x8b: {  	s0 =	sand.u32 $0x1, s1  }
0x8c: {  	s17 =	sshll.u32 s0, $0xA;
	s2 =	sadd.s32 s3, s2  }
0x8d: {  	s2 =	sadd.s32 s2, s17  }
0x8e: {  	[smem:$0x3FBF] =	sst s2  }
0x8f: {  	_ = 	snop  }
0x90: {  	s4 =	sld [smem:$0x3FC9]  }
0x91: {  	s18 =	sld [smem:$0x3FD0];
	(tm) =	ssettm $0x1  }
0x92: {  	s19 =	sld [smem:$0x3FFB];
	_ =	sdelay $0x3  }
0x93: {  	_ =	strace s19  }
0x94: {  	s2 =	sld [smem:$0x3FFC];
	_ =	sdelay $0x3  }
0x95: {  	_ =	strace s2  }
0x96: {  	s2 =	sld [smem:$0x3FFD];
	_ =	sdelay $0x3  }
0x97: {  	_ =	strace s2  }
0x98: {  	_ =	strace $0x8FFFFFFF  }
0x99: {  	s20 =	sld [smem:$0x3FDB];
	_ =	sdelay $0x1  }
0x9a: {  	s5 =	simm.s32 $_scs_section_size  }
0x9b: {  	s6 =	simm.s32 $_size__tile_overlayer_lowered;
	s7 =	simm.s32 $_tile_overlayer_lowered  }
0x9c: {  	s8 =	simm.s32 $0x1BFF;
	s21 =	sshll.u32 s7, $0x1;
	s5 =	sadd.s32 s5, s20  }
0x9d: {  	s22 =	simm.s32 $0x0;
	s6 =	sshll.u32 s6, $0x1;
	s7 =	sadd.s32 s21, s5  }
0x9e: {  	[timem:s22], [sflag:s8] =	dma.local [hbm:s7], s6  }
0x9f: {  	_ =	swait.ge [sflag:s8], s6  }
0xa0: {  	s6 =	ssub.s32 $0x0, s6;
	[sflag:s8] =	ssyncset.done $0x0  }
0xa1: {  	[sflag:s8] =	ssyncadd.s32 s6;
	_ =	sdelay $0x1  }
0xa2: {  	s23 =	simm.s32 $0x1B8B  }
0xa3: {  	_ =	swait.ge [sflag:s23], $0x1  }
0xa4: {  	[sflag:s23] =	ssyncset.done $0x0  }
0xa5: {  	[sflag:s23] =	ssyncadd.s32 $0xFFFFFFFF  }
0xa6: {  	s6 =	sld [smem:$0x0]  }
0xa7: {  	s7 =	sand.u32 $0xFFFFFFFE, s1  }
0xa8: {  	p0 =	sne.s32 s1, s7  }
0xa9: {  	s7 =	sshll.u32 @p0 s7, $0xE  }
0xaa: {  	s7 =	sadd.s32 @p0 $0x11B8D, s7;
	s8 =	sshll.u32 @p0 s6, $0x11  }
0xab: {  	s7 =	sor.u32 @p0 s8, s7  }
0xac: {  	[sflag:s7] =	ssyncadd.remote.s32 @p0 $0x1;
	_ =	sdelay $0x1  }
0xad: {  	s7 =	simm.s32 @p0 $0x1B8D  }
0xae: {  	_ =	swait.eq @p0 [sflag:s7], $0x1  }
0xaf: {  	[sflag:s7] =	ssyncadd.s32 @p0 $0xFFFFFFFF  }
0xb0: {  	s8 =	sshll.u32 @!p0 s1, $0xE  }
0xb1: {  	s8 =	sor.u32 @!p0 $0x4000, s8;
	s7 =	simm.s32 @!p0 $0x1B8D  }
0xb2: {  	s6 =	sshll.u32 @!p0 s6, $0x11;
	s8 =	sadd.s32 @!p0 $0x11B8D, s8;
	_ =	swait.eq @!p0 [sflag:s7], $0x1  }
0xb3: {  	s6 =	sor.u32 @!p0 s6, s8;
	[sflag:s7] =	ssyncadd.s32 @!p0 $0xFFFFFFFF  }
0xb4: {  	s25 =	simm.s32 $0x1B8E;
	s24 =	sld [smem:$0x3FFE];
	[sflag:s6] =	ssyncadd.remote.s32 @!p0 $0x1  }
0xb5: {  	s26 =	simm.s32 $execute0_lowered;
	[smem:$0x3FD2] =	sst s25  }
0xb6: {  	s7 =	sshll.u32 s26, $0x1;
	_ =	strace $0x80000052;
	[dreg:$0x1] =	wrdreg $0xFFFFFFFF  }
0xb7: {  	s28 =	simm.s32 $_size_execute0_lowered;
	s5 =	sadd.s32 s5, s7;
	[dreg:$0x0] =	wrdreg $0x0  }
0xb8: {  	s7 =	sshll.u32 s28, $0x1;
	[dreg:$0x2] =	wrdreg s5  }
0xb9: {  	[dreg:$0x3] =	wrdreg s7  }
0xba: {  	[dreg:$0x4] =	wrdreg $0xC0  }
0xbb: {  	_ =	task [dreg:s22], $0x5FFFF  }
0xbc: {  	[dreg:$0x1] =	wrdreg $0xFFFFFFFF  }
0xbd: {  	[dreg:$0x0] =	wrdreg $0x60  }
0xbe: {  	[dreg:$0x2] =	wrdreg s4  }
0xbf: {  	[dreg:$0x3] =	wrdreg s24  }
0xc0: {  	[dreg:$0x4] =	wrdreg s18  }
0xc1: {  	[dreg:$0x5] =	wrdreg $0xB  }
0xc2: {  	_ =	task.clear_ibuf [dreg:s22], $0x6FFFF;
	_ =	strace $0x90000052  }
0xc3: {  	s29 =	simm.s32 $0xB;
	_ =	strace $0x80000054  }
0xc4: {  	_ =	swait.ge [sflag:s29], $0x1  }
0xc5: {  	[sflag:s29] =	ssyncadd.s32 $0xFFFFFFFF  }
0xc6: {  	_ =	strace $0x90000054  }
0xc7: {  	_ =	sfence  }
0xc8: {  	s30 =	sld [smem:$0x0];
	_ =	sdelay $0x2  }
0xc9: {  	s31 =	sshll.u32 s1, $0xD;
	s1 =	sshrl.u32 s1, $0x2  }
0xca: {  	s4 =	sand.u32 $0x4000, s31;
	s1 =	sadd.s32 s1, s30  }
0xcb: {  	s0 =	sor.u32 s4, s0;
	s1 =	sshll.u32 s1, $0x11  }
0xcc: {  	s0 =	sor.u32 s1, s0  }
0xcd: {  	s0 =	sadd.s32 $0x8F2B, s0  }
0xce: {  	[sflag:s0] =	ssyncadd.remote.s32 $0x1  }
0xcf: {  	_ =	sfence.sel $0xFFFF  }
0xd0: {  	[dreg:$0x0] =	wrdreg $0xFFFFFFFF;
	(pc) =	sbr.abs _section_cstart, $3  }
0xd1: {  	[dreg:$0x1] =	wrdreg $0xFFFFFFFF  }
0xd2: {  	_ =	task.clear_ibuf [dreg:s22], $0x2FFFF;
	_ =	strace $0x9FFFFFFF  }
0xd3: {  	(tm) =	ssettm $0x7FFFFFFF  }
tec
execute0_lowered:
.L_overlay_start_1:
0x0: {  	(tag) =	ssettag $0x1  }
0x1: {  	s1 =	srdreg.scid;
	s0 =	stileid.u32  }
0x2: {  	s28 =	sand.u32 $0x1, s1;
	s26 =	sshll.u32 s0, $0x1  }
0x3: {  	s30 =	sor.u32 s28, s26  }
0x4: {  	s2 =	rddreg [dreg:$0x0];
	s6 =	smul.u32 $0x140, s30  }
0x5: {  	s29 =	rddreg [dreg:$0x1]  }
0x6: {  	s5 =	rddreg [dreg:$0x2];
	s3 =	simm.s32 $0x0;
	s4 =	sadd.s32 s6, s29  }
0x7: {  	[smem:$0x7FF] =	sst s3;
	s4 =	sadd.s32 $0x8E00, s4  }
0x8: {  	_ =	strace $0x80000053;
	[dreg:$0x4] =	wrdreg s4  }
0x9: {  	s4 =	simm.s32 $0x2;
	s7 =	rddreg [dreg:$0x4]  }
0xa: {  	[tilespmem:s3], [sflag:$0x2] =	stream.linear.gather [hbm4b:s7+s3], $0xA00, $0x38;
	[tilespmem:$0xF400] =	vst v63  }
0xb: {  	_ =	swait.ge [sflag:s4], $0xA00  }
0xc: {  	[sflag:s4] =	ssyncset.done $0x0  }
0xd: {  	s5 =	sadd.s32 s5, s6;
	s6 =	simm.s32 $0xA00;
	[sflag:s4] =	ssyncadd.s32 $0xFFFFF600  }
0xe: {  	[tilespmem:s6], [sflag:$0x2] =	stream.linear.gather [hbm4b:s5+s3], $0xA00, $0x38;
	[tilespmem:$0xF400] =	vst v63  }
0xf: {  	_ =	swait.ge [sflag:s4], $0xA00  }
0x10: {  	s8 =	simm.s32 $0x1400;
	[sflag:s4] =	ssyncset.done $0x0  }
0x11: {  	s9 =	simm.s32 $0x1;
	s7 =	simm.s32 $0x80;
	[sflag:s4] =	ssyncadd.s32 $0xFFFFF600  }
0x12: {  	[tilespmem:s8], [sflag:$0x1] =	stream.indirect.gather [hbm4b:s2+s7], $0x80, s3, s7, $0xb8;
	[tilespmem:$0xF400] =	vst v63  }
0x13: {  	_ =	swait.ge [sflag:s9], $0x4000  }
0x14: {  	[sflag:s9] =	ssyncset.done $0x0  }
0x15: {  	[sflag:s9] =	ssyncadd.s32 $0xFFFFC000  }
0x16: {  	[tilespmem:s8], [sflag:$0x1] =	stream.indirect.gather [hbm4b:s2+s7], $0x80, s7, s7, $0xb8;
	[tilespmem:$0xF400] =	vst v63  }
0x17: {  	_ =	swait.ge [sflag:s9], $0x4000  }
0x18: {  	[sflag:s9] =	ssyncset.done $0x0  }
0x19: {  	s10 =	simm.s32 $0x100;
	[sflag:s9] =	ssyncadd.s32 $0xFFFFC000  }
0x1a: {  	[tilespmem:s8], [sflag:$0x1] =	stream.indirect.gather [hbm4b:s2+s7], $0x80, s10, s7, $0xb8;
	[tilespmem:$0xF400] =	vst v63  }
0x1b: {  	_ =	swait.ge [sflag:s9], $0x4000  }
0x1c: {  	[sflag:s9] =	ssyncset.done $0x0  }
0x1d: {  	s11 =	simm.s32 $0x180;
	[sflag:s9] =	ssyncadd.s32 $0xFFFFC000  }
0x1e: {  	[tilespmem:s8], [sflag:$0x1] =	stream.indirect.gather [hbm4b:s2+s7], $0x80, s11, s7, $0xb8;
	[tilespmem:$0xF400] =	vst v63  }
0x1f: {  	_ =	swait.ge [sflag:s9], $0x4000  }
0x20: {  	[sflag:s9] =	ssyncset.done $0x0  }
0x21: {  	s12 =	simm.s32 $0x200;
	[sflag:s9] =	ssyncadd.s32 $0xFFFFC000  }
0x22: {  	[tilespmem:s8], [sflag:$0x1] =	stream.indirect.gather [hbm4b:s2+s7], $0x80, s12, s7, $0xb8;
	[tilespmem:$0xF400] =	vst v63  }
0x23: {  	_ =	swait.ge [sflag:s9], $0x4000  }
0x24: {  	[sflag:s9] =	ssyncset.done $0x0  }
0x25: {  	s13 =	simm.s32 $0x280;
	[sflag:s9] =	ssyncadd.s32 $0xFFFFC000  }
0x26: {  	[tilespmem:s8], [sflag:$0x1] =	stream.indirect.gather [hbm4b:s2+s7], $0x80, s13, s7, $0xb8;
	[tilespmem:$0xF400] =	vst v63  }
0x27: {  	_ =	swait.ge [sflag:s9], $0x4000  }
0x28: {  	[sflag:s9] =	ssyncset.done $0x0  }
0x29: {  	s14 =	simm.s32 $0x300;
	[sflag:s9] =	ssyncadd.s32 $0xFFFFC000  }
0x2a: {  	[tilespmem:s8], [sflag:$0x1] =	stream.indirect.gather [hbm4b:s2+s7], $0x80, s14, s7, $0xb8;
	[tilespmem:$0xF400] =	vst v63  }
0x2b: {  	_ =	swait.ge [sflag:s9], $0x4000  }
0x2c: {  	[sflag:s9] =	ssyncset.done $0x0  }
0x2d: {  	s15 =	simm.s32 $0x380;
	[sflag:s9] =	ssyncadd.s32 $0xFFFFC000  }
0x2e: {  	[tilespmem:s8], [sflag:$0x1] =	stream.indirect.gather [hbm4b:s2+s7], $0x80, s15, s7, $0xb8;
	[tilespmem:$0xF400] =	vst v63  }
0x2f: {  	_ =	swait.ge [sflag:s9], $0x4000  }
0x30: {  	[sflag:s9] =	ssyncset.done $0x0  }
0x31: {  	s16 =	simm.s32 $0x400;
	[sflag:s9] =	ssyncadd.s32 $0xFFFFC000  }
0x32: {  	[tilespmem:s8], [sflag:$0x1] =	stream.indirect.gather [hbm4b:s2+s7], $0x80, s16, s7, $0xb8;
	[tilespmem:$0xF400] =	vst v63  }
0x33: {  	_ =	swait.ge [sflag:s9], $0x4000  }
0x34: {  	[sflag:s9] =	ssyncset.done $0x0  }
0x35: {  	s17 =	simm.s32 $0x480;
	[sflag:s9] =	ssyncadd.s32 $0xFFFFC000  }
0x36: {  	[tilespmem:s8], [sflag:$0x1] =	stream.indirect.gather [hbm4b:s2+s7], $0x80, s17, s7, $0xb8;
	[tilespmem:$0xF400] =	vst v63  }
0x37: {  	_ =	swait.ge [sflag:s9], $0x4000  }
0x38: {  	[sflag:s9] =	ssyncset.done $0x0  }
0x39: {  	s18 =	simm.s32 $0x500;
	[sflag:s9] =	ssyncadd.s32 $0xFFFFC000  }
0x3a: {  	[tilespmem:s8], [sflag:$0x1] =	stream.indirect.gather [hbm4b:s2+s7], $0x80, s18, s7, $0xb8;
	[tilespmem:$0xF400] =	vst v63  }
0x3b: {  	_ =	swait.ge [sflag:s9], $0x4000  }
0x3c: {  	[sflag:s9] =	ssyncset.done $0x0  }
0x3d: {  	s19 =	simm.s32 $0x580;
	[sflag:s9] =	ssyncadd.s32 $0xFFFFC000  }
0x3e: {  	[tilespmem:s8], [sflag:$0x1] =	stream.indirect.gather [hbm4b:s2+s7], $0x80, s19, s7, $0xb8;
	[tilespmem:$0xF400] =	vst v63  }
0x3f: {  	_ =	swait.ge [sflag:s9], $0x4000  }
0x40: {  	[sflag:s9] =	ssyncset.done $0x0  }
0x41: {  	s20 =	simm.s32 $0x600;
	[sflag:s9] =	ssyncadd.s32 $0xFFFFC000  }
0x42: {  	[tilespmem:s8], [sflag:$0x1] =	stream.indirect.gather [hbm4b:s2+s7], $0x80, s20, s7, $0xb8;
	[tilespmem:$0xF400] =	vst v63  }
0x43: {  	_ =	swait.ge [sflag:s9], $0x4000  }
0x44: {  	[sflag:s9] =	ssyncset.done $0x0  }
0x45: {  	s21 =	simm.s32 $0x680;
	[sflag:s9] =	ssyncadd.s32 $0xFFFFC000  }
0x46: {  	[tilespmem:s8], [sflag:$0x1] =	stream.indirect.gather [hbm4b:s2+s7], $0x80, s21, s7, $0xb8;
	[tilespmem:$0xF400] =	vst v63  }
0x47: {  	_ =	swait.ge [sflag:s9], $0x4000  }
0x48: {  	[sflag:s9] =	ssyncset.done $0x0  }
0x49: {  	s22 =	simm.s32 $0x700;
	[sflag:s9] =	ssyncadd.s32 $0xFFFFC000  }
0x4a: {  	[tilespmem:s8], [sflag:$0x1] =	stream.indirect.gather [hbm4b:s2+s7], $0x80, s22, s7, $0xb8;
	[tilespmem:$0xF400] =	vst v63  }
0x4b: {  	_ =	swait.ge [sflag:s9], $0x4000  }
0x4c: {  	[sflag:s9] =	ssyncset.done $0x0  }
0x4d: {  	s23 =	simm.s32 $0x780;
	[sflag:s9] =	ssyncadd.s32 $0xFFFFC000  }
0x4e: {  	[tilespmem:s8], [sflag:$0x1] =	stream.indirect.gather [hbm4b:s2+s7], $0x80, s23, s7, $0xb8;
	[tilespmem:$0xF400] =	vst v63  }
0x4f: {  	_ =	swait.ge [sflag:s9], $0x4000  }
0x50: {  	[sflag:s9] =	ssyncset.done $0x0  }
0x51: {  	s24 =	simm.s32 $0x800;
	[sflag:s9] =	ssyncadd.s32 $0xFFFFC000  }
0x52: {  	[tilespmem:s8], [sflag:$0x1] =	stream.indirect.gather [hbm4b:s2+s7], $0x80, s24, s7, $0xb8;
	[tilespmem:$0xF400] =	vst v63  }
0x53: {  	_ =	swait.ge [sflag:s9], $0x4000  }
0x54: {  	[sflag:s9] =	ssyncset.done $0x0  }
0x55: {  	s25 =	simm.s32 $0x880;
	[sflag:s9] =	ssyncadd.s32 $0xFFFFC000  }
0x56: {  	[tilespmem:s8], [sflag:$0x1] =	stream.indirect.gather [hbm4b:s2+s7], $0x80, s25, s7, $0xb8;
	[tilespmem:$0xF400] =	vst v63  }
0x57: {  	s30 =	smul.u32 $0x1400, s30;
	_ =	swait.ge [sflag:s9], $0x4000  }
0x58: {  	s26 =	simm.s32 $0x900;
	s31 =	ssub.s32 $0x2, s28;
	[sflag:s9] =	ssyncset.done $0x0  }
0x59: {  	s29 =	sadd.s32 s30, s29;
	s30 =	sshrl.u32 s31, $0x1;
	[sflag:s9] =	ssyncadd.s32 $0xFFFFC000  }
0x5a: {  	[tilespmem:s8], [sflag:$0x1] =	stream.indirect.gather [hbm4b:s2+s7], $0x80, s26, s7, $0xb8;
	[tilespmem:$0xF400] =	vst v63  }
0x5b: {  	s30 =	ssub.s32 s31, s30;
	_ =	swait.ge [sflag:s9], $0x4000  }
0x5c: {  	s31 =	smax.u32 s30, $0x1;
	[sflag:s9] =	ssyncset.done $0x0  }
0x5d: {  	s28 =	simm.s32 $0x980;
	p0 =	sne.s32 s31, $0x1;
	[sflag:s9] =	ssyncadd.s32 $0xFFFFC000  }
0x5e: {  	[tilespmem:s8], [sflag:$0x1] =	stream.indirect.gather [hbm4b:s2+s7], $0x80, s28, s7, $0xb8;
	[tilespmem:$0xF400] =	vst v63  }
.Ltmp0:
0x5f: {  	_ =	swait.ge [sflag:s9], $0x4000;
	(pc) =	sbr.rel @!p0 .LBB2_2-.Ltmp0, $4  }
0x60: {  	[sflag:s9] =	ssyncset.done $0x0  }
0x61: {  	s29 =	sadd.s32 $0x10600, s29;
	s30 =	simm.s32 $0x5400;
	[sflag:s9] =	ssyncadd.s32 $0xFFFFC000  }
0x62: {  	[hbm4b:s29+s3] =	stream.linear.scatter [tilespmem:s30], [sflag:$0x2], $0xA000, $0x38;
	[tilespmem:$0xF400] =	vst v63  }
0x63: {  	s31 =	sadd.s32 $0xFFFFFFFF, s31;
	_ =	swait.ge [sflag:s4], $0xA000  }
.LBB2_1:
0x64: {  	[sflag:s4] =	ssyncset.done $0x0  }
0x65: {  	s1 =	rddreg [dreg:$0x4];
	[sflag:s4] =	ssyncadd.s32 $0xFFFF6000  }
0x66: {  	[tilespmem:s3], [sflag:$0x2] =	stream.linear.gather [hbm4b:s1+s3], $0xA00, $0x38;
	[tilespmem:$0xF400] =	vst v63  }
0x67: {  	_ =	swait.ge [sflag:s4], $0xA00  }
0x68: {  	[sflag:s4] =	ssyncset.done $0x0  }
0x69: {  	[sflag:s4] =	ssyncadd.s32 $0xFFFFF600  }
0x6a: {  	[tilespmem:s6], [sflag:$0x2] =	stream.linear.gather [hbm4b:s5+s3], $0xA00, $0x38;
	[tilespmem:$0xF400] =	vst v63  }
0x6b: {  	_ =	swait.ge [sflag:s4], $0xA00  }
0x6c: {  	[sflag:s4] =	ssyncset.done $0x0  }
0x6d: {  	[sflag:s4] =	ssyncadd.s32 $0xFFFFF600  }
0x6e: {  	[tilespmem:s8], [sflag:$0x1] =	stream.indirect.gather [hbm4b:s2+s7], $0x80, s3, s7, $0xb8;
	[tilespmem:$0xF400] =	vst v63  }
0x6f: {  	_ =	swait.ge [sflag:s9], $0x4000  }
0x70: {  	[sflag:s9] =	ssyncset.done $0x0  }
0x71: {  	[sflag:s9] =	ssyncadd.s32 $0xFFFFC000  }
0x72: {  	[tilespmem:s8], [sflag:$0x1] =	stream.indirect.gather [hbm4b:s2+s7], $0x80, s7, s7, $0xb8;
	[tilespmem:$0xF400] =	vst v63  }
0x73: {  	_ =	swait.ge [sflag:s9], $0x4000  }
0x74: {  	[sflag:s9] =	ssyncset.done $0x0  }
0x75: {  	[sflag:s9] =	ssyncadd.s32 $0xFFFFC000  }
0x76: {  	[tilespmem:s8], [sflag:$0x1] =	stream.indirect.gather [hbm4b:s2+s7], $0x80, s10, s7, $0xb8;
	[tilespmem:$0xF400] =	vst v63  }
0x77: {  	_ =	swait.ge [sflag:s9], $0x4000  }
0x78: {  	[sflag:s9] =	ssyncset.done $0x0  }
0x79: {  	[sflag:s9] =	ssyncadd.s32 $0xFFFFC000  }
0x7a: {  	[tilespmem:s8], [sflag:$0x1] =	stream.indirect.gather [hbm4b:s2+s7], $0x80, s11, s7, $0xb8;
	[tilespmem:$0xF400] =	vst v63  }
0x7b: {  	_ =	swait.ge [sflag:s9], $0x4000  }
0x7c: {  	[sflag:s9] =	ssyncset.done $0x0  }
0x7d: {  	[sflag:s9] =	ssyncadd.s32 $0xFFFFC000  }
0x7e: {  	[tilespmem:s8], [sflag:$0x1] =	stream.indirect.gather [hbm4b:s2+s7], $0x80, s12, s7, $0xb8;
	[tilespmem:$0xF400] =	vst v63  }
0x7f: {  	_ =	swait.ge [sflag:s9], $0x4000  }
0x80: {  	[sflag:s9] =	ssyncset.done $0x0  }
0x81: {  	[sflag:s9] =	ssyncadd.s32 $0xFFFFC000  }
0x82: {  	[tilespmem:s8], [sflag:$0x1] =	stream.indirect.gather [hbm4b:s2+s7], $0x80, s13, s7, $0xb8;
	[tilespmem:$0xF400] =	vst v63  }
0x83: {  	_ =	swait.ge [sflag:s9], $0x4000  }
0x84: {  	[sflag:s9] =	ssyncset.done $0x0  }
0x85: {  	[sflag:s9] =	ssyncadd.s32 $0xFFFFC000  }
0x86: {  	[tilespmem:s8], [sflag:$0x1] =	stream.indirect.gather [hbm4b:s2+s7], $0x80, s14, s7, $0xb8;
	[tilespmem:$0xF400] =	vst v63  }
0x87: {  	_ =	swait.ge [sflag:s9], $0x4000  }
0x88: {  	[sflag:s9] =	ssyncset.done $0x0  }
0x89: {  	[sflag:s9] =	ssyncadd.s32 $0xFFFFC000  }
0x8a: {  	[tilespmem:s8], [sflag:$0x1] =	stream.indirect.gather [hbm4b:s2+s7], $0x80, s15, s7, $0xb8;
	[tilespmem:$0xF400] =	vst v63  }
0x8b: {  	_ =	swait.ge [sflag:s9], $0x4000  }
0x8c: {  	[sflag:s9] =	ssyncset.done $0x0  }
0x8d: {  	[sflag:s9] =	ssyncadd.s32 $0xFFFFC000  }
0x8e: {  	[tilespmem:s8], [sflag:$0x1] =	stream.indirect.gather [hbm4b:s2+s7], $0x80, s16, s7, $0xb8;
	[tilespmem:$0xF400] =	vst v63  }
0x8f: {  	_ =	swait.ge [sflag:s9], $0x4000  }
0x90: {  	[sflag:s9] =	ssyncset.done $0x0  }
0x91: {  	[sflag:s9] =	ssyncadd.s32 $0xFFFFC000  }
0x92: {  	[tilespmem:s8], [sflag:$0x1] =	stream.indirect.gather [hbm4b:s2+s7], $0x80, s17, s7, $0xb8;
	[tilespmem:$0xF400] =	vst v63  }
0x93: {  	_ =	swait.ge [sflag:s9], $0x4000  }
0x94: {  	[sflag:s9] =	ssyncset.done $0x0  }
0x95: {  	[sflag:s9] =	ssyncadd.s32 $0xFFFFC000  }
0x96: {  	[tilespmem:s8], [sflag:$0x1] =	stream.indirect.gather [hbm4b:s2+s7], $0x80, s18, s7, $0xb8;
	[tilespmem:$0xF400] =	vst v63  }
0x97: {  	_ =	swait.ge [sflag:s9], $0x4000  }
0x98: {  	[sflag:s9] =	ssyncset.done $0x0  }
0x99: {  	[sflag:s9] =	ssyncadd.s32 $0xFFFFC000  }
0x9a: {  	[tilespmem:s8], [sflag:$0x1] =	stream.indirect.gather [hbm4b:s2+s7], $0x80, s19, s7, $0xb8;
	[tilespmem:$0xF400] =	vst v63  }
0x9b: {  	_ =	swait.ge [sflag:s9], $0x4000  }
0x9c: {  	[sflag:s9] =	ssyncset.done $0x0  }
0x9d: {  	[sflag:s9] =	ssyncadd.s32 $0xFFFFC000  }
0x9e: {  	[tilespmem:s8], [sflag:$0x1] =	stream.indirect.gather [hbm4b:s2+s7], $0x80, s20, s7, $0xb8;
	[tilespmem:$0xF400] =	vst v63  }
0x9f: {  	_ =	swait.ge [sflag:s9], $0x4000  }
0xa0: {  	[sflag:s9] =	ssyncset.done $0x0  }
0xa1: {  	[sflag:s9] =	ssyncadd.s32 $0xFFFFC000  }
0xa2: {  	[tilespmem:s8], [sflag:$0x1] =	stream.indirect.gather [hbm4b:s2+s7], $0x80, s21, s7, $0xb8;
	[tilespmem:$0xF400] =	vst v63  }
0xa3: {  	_ =	swait.ge [sflag:s9], $0x4000  }
0xa4: {  	[sflag:s9] =	ssyncset.done $0x0  }
0xa5: {  	[sflag:s9] =	ssyncadd.s32 $0xFFFFC000  }
0xa6: {  	[tilespmem:s8], [sflag:$0x1] =	stream.indirect.gather [hbm4b:s2+s7], $0x80, s22, s7, $0xb8;
	[tilespmem:$0xF400] =	vst v63  }
0xa7: {  	_ =	swait.ge [sflag:s9], $0x4000  }
0xa8: {  	[sflag:s9] =	ssyncset.done $0x0  }
0xa9: {  	[sflag:s9] =	ssyncadd.s32 $0xFFFFC000  }
0xaa: {  	[tilespmem:s8], [sflag:$0x1] =	stream.indirect.gather [hbm4b:s2+s7], $0x80, s23, s7, $0xb8;
	[tilespmem:$0xF400] =	vst v63  }
0xab: {  	_ =	swait.ge [sflag:s9], $0x4000  }
0xac: {  	[sflag:s9] =	ssyncset.done $0x0  }
0xad: {  	[sflag:s9] =	ssyncadd.s32 $0xFFFFC000  }
0xae: {  	[tilespmem:s8], [sflag:$0x1] =	stream.indirect.gather [hbm4b:s2+s7], $0x80, s24, s7, $0xb8;
	[tilespmem:$0xF400] =	vst v63  }
0xaf: {  	_ =	swait.ge [sflag:s9], $0x4000  }
0xb0: {  	[sflag:s9] =	ssyncset.done $0x0  }
0xb1: {  	[sflag:s9] =	ssyncadd.s32 $0xFFFFC000  }
0xb2: {  	[tilespmem:s8], [sflag:$0x1] =	stream.indirect.gather [hbm4b:s2+s7], $0x80, s25, s7, $0xb8;
	[tilespmem:$0xF400] =	vst v63  }
0xb3: {  	_ =	swait.ge [sflag:s9], $0x4000  }
0xb4: {  	[sflag:s9] =	ssyncset.done $0x0  }
0xb5: {  	[sflag:s9] =	ssyncadd.s32 $0xFFFFC000  }
0xb6: {  	[tilespmem:s8], [sflag:$0x1] =	stream.indirect.gather [hbm4b:s2+s7], $0x80, s26, s7, $0xb8;
	[tilespmem:$0xF400] =	vst v63  }
0xb7: {  	_ =	swait.ge [sflag:s9], $0x4000  }
0xb8: {  	[sflag:s9] =	ssyncset.done $0x0  }
0xb9: {  	p0 =	sne.s32 s31, $0x1;
	[sflag:s9] =	ssyncadd.s32 $0xFFFFC000  }
0xba: {  	[tilespmem:s8], [sflag:$0x1] =	stream.indirect.gather [hbm4b:s2+s7], $0x80, s28, s7, $0xb8;
	[tilespmem:$0xF400] =	vst v63  }
.Ltmp1:
0xbb: {  	_ =	swait.ge [sflag:s9], $0x4000;
	(pc) =	sbr.rel @p0 .LBB2_1-.Ltmp1, $4  }
0xbc: {  	[sflag:s9] =	ssyncset.done $0x0  }
0xbd: {  	[sflag:s9] =	ssyncadd.s32 $0xFFFFC000  }
0xbe: {  	[hbm4b:s29+s3] =	stream.linear.scatter [tilespmem:s30], [sflag:$0x2], $0xA000, $0x38;
	[tilespmem:$0xF400] =	vst v63  }
0xbf: {  	s31 =	sadd.s32 $0xFFFFFFFF, s31;
	_ =	swait.ge [sflag:s4], $0xA000  }
.LBB2_2:
0xc0: {  	[sflag:s4] =	ssyncset.done $0x0  }
0xc1: {  	[sflag:s4] =	ssyncadd.s32 $0xFFFF6000  }
0xc2: {  	_ =	sfence.sel $0x180000  }
0xc3: {  	[bflag:$0x0] =	sbarrier.arrive $0xFFFF  }
0xc4: {  	_ =	strace $0x90000053  }
0xc5: {  	[bflag:$0x2] =	sbarrier.arrive $0xFFFF  }
0xc6: {  	p0 =	sne.s32 s0, $0x0;
	s0 =	rddreg [dreg:$0x3]  }
0xc7: {  	s0 =	sadd.s32 @!p0 $0x100000, s0  }
0xc8: {  	[sflag:s0] =	ssyncadd.tile.s32 @!p0 $0x1;
	_ =	shalt  }
.Lfunc_end2:
_tile_overlayer_lowered:
.L_overlay_start_2:
0xc9: {  	(tag) =	ssettag $0x2  }
0xca: {  	s0 =	rddreg [dreg:$0x0];
	s2 =	stileid.u32  }
0xcb: {  	s1 =	rddreg [dreg:$0x1];
	p0 =	sne.s32 s2, $0x0  }
0xcc: {  	s3 =	rddreg [dreg:$0x2];
	[bflag:$0x3] =	sbarrier.arrive $0xFFFF;
	s2 =	simm.s32 @!p0 $0x1C02  }
0xcd: {  	[timem:s3], [sflag:s2] =	dma.local @!p0 [hbm:s0], s1  }
0xce: {  	s0 =	simm.s32 @!p0 $0x2  }
0xcf: {  	_ =	swait.ge @!p0 [sflag:s0], s1  }
0xd0: {  	s1 =	ssub.s32 @!p0 $0x0, s1;
	[sflag:s0] =	ssyncset.done @!p0 $0x0  }
0xd1: {  	[sflag:s0] =	ssyncadd.s32 @!p0 s1  }
0xd2: {  	[bflag:$0x3] =	sbarrier.arrive $0xFFFF  }
0xd3: {  	_ =	shalt  }

// kernel: kernel.9.cloned.1.call-start
scs
__scs_entry_jumppad:
0x0: {  	(pc) =	sbr.rel $0x88, $3  }
0x1: {  	(tag) =	ssettag $0x0;
	lr =	simm.s32 $0x1  }
0x2: {  	[smem:$0x3F98] =	sst lr;
	_ =	strace $0xD0000000  }
0x3: {  	_ = 	snop  }
0x4: {  	_ = 	snop  }
0x5: {  	_ = 	snop  }
0x6: {  	_ = 	snop  }
0x7: {  	_ = 	snop  }
__scs_overlays_trampoline_lowered:
0x8: {  	[smem:$0x3FA7] =	sst s0  }
0x9: {  	[smem:$0x3FA8] =	sst s1  }
0xa: {  	[smem:$0x3FA9] =	sst s2  }
0xb: {  	[smem:$0x3FAA] =	sst s3  }
0xc: {  	[smem:$0x3FAB] =	sst s4  }
0xd: {  	[smem:$0x3FAC] =	sst s5  }
0xe: {  	[smem:$0x3FAD] =	sst s6  }
0xf: {  	[smem:$0x3FAE] =	sst s7  }
0x10: {  	[smem:$0x3FAF] =	sst s8  }
0x11: {  	[smem:$0x3FB0] =	sst s9;
	s0 =	simm.s32 @!p0 $0x0  }
0x12: {  	s1 =	sld [smem:$0x3F96];
	s0 =	simm.s32 @p0 $0x1  }
0x13: {  	[smem:$0x3FB1] =	sst s0;
	s0 =	simm.s32 @!p1 $0x0  }
0x14: {  	s2 =	sld [smem:$0x3F95];
	s0 =	simm.s32 @p1 $0x1  }
0x15: {  	[smem:$0x3FB2] =	sst s0;
	s0 =	simm.s32 @!p2 $0x0  }
0x16: {  	s3 =	sld [smem:$0x3FDB];
	s0 =	simm.s32 @p2 $0x1  }
0x17: {  	s4 =	simm.s32 $0x1BF5;
	[smem:$0x3FB4] =	sst s0  }
0x18: {  	s0 =	sld [smem:$0x3F97];
	_ =	swait.ge [sflag:s4], $0x0  }
0x19: {  	s7 =	sld [smem:$0x3F98]  }
0x1a: {  	s8 =	sadd.s32 $0xFFFFE003, lr  }
0x1b: {  	s9 =	sadd.s32 $0xFFFFFEF7, lr;
	s5 =	simm.s32 $0xFFFFFFFF;
	p2 =	slt.u32 s8, $0xFFFFF086  }
0x1c: {  	p1 =	slt.u32 s9, $0xF7A;
	s5 =	simm.s32 @!p2 $0x0  }
0x1d: {  	s5 =	simm.s32 @p1 $0x1;
	p0 =	seq.s32 s7, s2  }
0x1e: {  	s7 =	smul.u32 @!p0 $0xF7A, s2;
	p2 =	seq.s32 @!p0 s5, $0x0  }
0x1f: {  	s9 =	smul.u32 $0xF7A, s1;
	s8 =	simm.s32 @!p0 $0x1BF5;
	p2 =	por !p2, p0  }
0x20: {  	[sflag:s8] =	ssyncset.s32 @!p0 $0xFFFFF086;
	s6 =	sadd.s32 @!p0 s3, s7;
	s7 =	simm.s32 @!p0 $0x108  }
0x21: {  	s3 =	sadd.s32 s3, s9;
	s6 =	sadd.s32 @!p0 $0x88, s6;
	s7 =	simm.s32 @p2 $0x1082  }
0x22: {  	[simem:s7], [sflag:s8] =	dma.local @!p0 [hbm:s6], $0xF7A  }
0x23: {  	s9 =	sor.u32 $0xD0000000, s2;
	s6 =	simm.s32 $0x108;
	_ =	swait.ge @!p0 [sflag:s8], $0x0  }
0x24: {  	s3 =	sadd.s32 $0x88, s3;
	s6 =	simm.s32 @!p1 $0x1082;
	[sflag:s4] =	ssyncset.s32 $0xFFFFF086  }
0x25: {  	[simem:s6], [sflag:s4] =	dma.local [hbm:s3], $0xF7A  }
0x26: {  	[smem:$0x3F98] =	sst s1;
	(tag) =	ssettag s2;
	_ =	strace s9  }
0x27: {  	s1 =	sld [smem:$0x3FA8]  }
0x28: {  	s2 =	sld [smem:$0x3FA9]  }
0x29: {  	s4 =	sld [smem:$0x3FAB]  }
0x2a: {  	p0 =	seq.s32 s5, $0x0;
	s5 =	sld [smem:$0x3FAC]  }
0x2b: {  	s6 =	sld [smem:$0x3FAD]  }
0x2c: {  	s7 =	sld [smem:$0x3FAE]  }
0x2d: {  	s3 =	simm.s32 $0x108;
	s8 =	sld [smem:$0x3FAF]  }
0x2e: {  	s3 =	simm.s32 @!p0 $0x1082;
	s9 =	sld [smem:$0x3FB0]  }
0x2f: {  	lr =	sadd.s32 s0, s3;
	s0 =	sld [smem:$0x3FA7]  }
0x30: {  	s3 =	sld [smem:$0x3FAA]  }
0x31: {  	[smem:$0x3FB3] =	sst s10  }
0x32: {  	s10 =	sld [smem:$0x3FB1];
	_ =	sdelay $0x3  }
0x33: {  	p0 =	seq.s32 s10, $0x1;
	s10 =	sld [smem:$0x3FB3];
	_ =	sdelay $0x3  }
0x34: {  	[smem:$0x3FB3] =	sst s10  }
0x35: {  	s10 =	sld [smem:$0x3FB2];
	_ =	sdelay $0x3  }
0x36: {  	p1 =	seq.s32 s10, $0x1;
	s10 =	sld [smem:$0x3FB3];
	_ =	sdelay $0x3  }
0x37: {  	[smem:$0x3FB3] =	sst s10  }
0x38: {  	s10 =	sld [smem:$0x3FB4]  }
0x39: {  	_ = 	snop;
	(pc) =	sbr.ind lr, $3  }
0x3a: {  	_ = 	snop  }
0x3b: {  	_ = 	snop  }
0x3c: {  	p2 =	seq.s32 s10, $0x1;
	s10 =	sld [smem:$0x3FB3]  }
0x3d: {  	_ =	shalt  }
0x3e: {  	_ =	shalt  }
0x3f: {  	_ =	shalt  }
0x40: {  	_ =	shalt  }
0x41: {  	_ =	shalt  }
0x42: {  	_ =	shalt  }
0x43: {  	_ =	shalt  }
0x44: {  	_ =	shalt  }
0x45: {  	_ =	shalt  }
0x46: {  	_ =	shalt  }
0x47: {  	_ =	shalt  }
0x48: {  	_ =	shalt  }
0x49: {  	_ =	shalt  }
0x4a: {  	_ =	shalt  }
0x4b: {  	_ =	shalt  }
0x4c: {  	_ =	shalt  }
0x4d: {  	_ =	shalt  }
0x4e: {  	_ =	shalt  }
0x4f: {  	_ =	shalt  }
0x50: {  	_ =	shalt  }
0x51: {  	_ =	shalt  }
0x52: {  	_ =	shalt  }
0x53: {  	_ =	shalt  }
0x54: {  	_ =	shalt  }
0x55: {  	_ =	shalt  }
0x56: {  	_ =	shalt  }
0x57: {  	_ =	shalt  }
0x58: {  	_ =	shalt  }
0x59: {  	_ =	shalt  }
0x5a: {  	_ =	shalt  }
0x5b: {  	_ =	shalt  }
0x5c: {  	_ =	shalt  }
0x5d: {  	_ =	shalt  }
0x5e: {  	_ =	shalt  }
0x5f: {  	_ =	shalt  }
0x60: {  	_ =	shalt  }
0x61: {  	_ =	shalt  }
0x62: {  	_ =	shalt  }
0x63: {  	_ =	shalt  }
0x64: {  	_ =	shalt  }
0x65: {  	_ =	shalt  }
0x66: {  	_ =	shalt  }
0x67: {  	_ =	shalt  }
0x68: {  	_ =	shalt  }
0x69: {  	_ =	shalt  }
0x6a: {  	_ =	shalt  }
0x6b: {  	_ =	shalt  }
0x6c: {  	_ =	shalt  }
0x6d: {  	_ =	shalt  }
0x6e: {  	_ =	shalt  }
0x6f: {  	_ =	shalt  }
0x70: {  	_ =	shalt  }
0x71: {  	_ =	shalt  }
0x72: {  	_ =	shalt  }
0x73: {  	_ =	shalt  }
0x74: {  	_ =	shalt  }
0x75: {  	_ =	shalt  }
0x76: {  	_ =	shalt  }
0x77: {  	_ =	shalt  }
0x78: {  	_ =	shalt  }
0x79: {  	_ =	shalt  }
0x7a: {  	_ =	shalt  }
0x7b: {  	_ =	shalt  }
0x7c: {  	_ =	shalt  }
0x7d: {  	_ =	shalt  }
0x7e: {  	_ =	shalt  }
0x7f: {  	_ =	shalt  }
0x80: {  	_ =	shalt  }
0x81: {  	_ =	shalt  }
0x82: {  	_ =	shalt  }
0x83: {  	_ =	shalt  }
0x84: {  	_ =	shalt  }
0x85: {  	_ =	shalt  }
0x86: {  	_ =	shalt  }
0x87: {  	_ =	shalt  }
.Lfunc_end0:
.L_simem_size_0:
called_computation.5_lowered:
.L_overlay_start_0:
0x88: {  	s2 =	sld [smem:$0x3FD9]  }
0x89: {  	s3 =	sld [smem:$0x3FFE];
	_ =	sdelay $0x1  }
0x8a: {  	s1 =	srdreg.scid  }
0x8b: {  	s0 =	sand.u32 $0x1, s1  }
0x8c: {  	s16 =	sshll.u32 s0, $0xA;
	s2 =	sadd.s32 s3, s2  }
0x8d: {  	s2 =	sadd.s32 s2, s16  }
0x8e: {  	[smem:$0x3FBF] =	sst s2  }
0x8f: {  	_ = 	snop  }
0x90: {  	(tm) =	ssettm $0x1  }
0x91: {  	s17 =	sld [smem:$0x3FFB];
	_ =	sdelay $0x3  }
0x92: {  	_ =	strace s17  }
0x93: {  	s2 =	sld [smem:$0x3FFC];
	_ =	sdelay $0x3  }
0x94: {  	_ =	strace s2  }
0x95: {  	s2 =	sld [smem:$0x3FFD];
	_ =	sdelay $0x3  }
0x96: {  	_ =	strace s2  }
0x97: {  	_ =	strace $0x8FFFFFFF  }
0x98: {  	s18 =	sld [smem:$0x3FDB];
	_ =	sdelay $0x1  }
0x99: {  	s19 =	simm.s32 $_scs_section_size  }
0x9a: {  	s4 =	simm.s32 $_size__tile_overlayer_lowered;
	s5 =	simm.s32 $_tile_overlayer_lowered  }
0x9b: {  	s22 =	simm.s32 $0x1BFF;
	s21 =	sshll.u32 s5, $0x1;
	s2 =	sadd.s32 s19, s18  }
0x9c: {  	s6 =	simm.s32 $0x0;
	s20 =	sshll.u32 s4, $0x1;
	s4 =	sadd.s32 s21, s2  }
0x9d: {  	[timem:s6], [sflag:s22] =	dma.local [hbm:s4], s20  }
0x9e: {  	_ =	swait.ge [sflag:s22], s20  }
0x9f: {  	s3 =	ssub.s32 $0x0, s20;
	[sflag:s22] =	ssyncset.done $0x0  }
0xa0: {  	[sflag:s22] =	ssyncadd.s32 s3;
	_ =	sdelay $0x1  }
0xa1: {  	s23 =	simm.s32 $0x1B8B  }
0xa2: {  	_ =	swait.ge [sflag:s23], $0x1  }
0xa3: {  	[sflag:s23] =	ssyncset.done $0x0  }
0xa4: {  	s25 =	simm.s32 $0x1B8E;
	s24 =	sld [smem:$0x3FFE];
	[sflag:s23] =	ssyncadd.s32 $0xFFFFFFFF  }
0xa5: {  	s26 =	simm.s32 $execute0_lowered;
	[smem:$0x3FD2] =	sst s25  }
0xa6: {  	s4 =	sshll.u32 s26, $0x1;
	_ =	strace $0x80000055;
	[dreg:$0x1] =	wrdreg $0xFFFFFFFF  }
0xa7: {  	s28 =	simm.s32 $_size_execute0_lowered;
	s2 =	sadd.s32 s2, s4;
	[dreg:$0x0] =	wrdreg $0x0  }
0xa8: {  	s4 =	sshll.u32 s28, $0x1;
	[dreg:$0x2] =	wrdreg s2  }
0xa9: {  	[dreg:$0x3] =	wrdreg s4  }
0xaa: {  	[dreg:$0x4] =	wrdreg $0xC0  }
0xab: {  	_ =	task [dreg:s6], $0x5FFFF  }
0xac: {  	[dreg:$0x1] =	wrdreg $0xFFFFFFFF  }
0xad: {  	[dreg:$0x0] =	wrdreg $0x60  }
0xae: {  	[dreg:$0x2] =	wrdreg s24  }
0xaf: {  	[dreg:$0x3] =	wrdreg $0x9  }
0xb0: {  	_ =	task.clear_ibuf [dreg:s6], $0x4FFFF;
	_ =	strace $0x90000055  }
0xb1: {  	s29 =	simm.s32 $0x9;
	_ =	strace $0x80000057  }
0xb2: {  	_ =	swait.ge [sflag:s29], $0x1  }
0xb3: {  	[sflag:s29] =	ssyncadd.s32 $0xFFFFFFFF  }
0xb4: {  	_ =	strace $0x90000057  }
0xb5: {  	_ =	sfence  }
0xb6: {  	s30 =	sld [smem:$0x0];
	_ =	sdelay $0x2  }
0xb7: {  	s31 =	sshll.u32 s1, $0xD;
	s1 =	sshrl.u32 s1, $0x2  }
0xb8: {  	s3 =	sand.u32 $0x4000, s31;
	s1 =	sadd.s32 s1, s30  }
0xb9: {  	s0 =	sor.u32 s3, s0;
	s1 =	sshll.u32 s1, $0x11  }
0xba: {  	s0 =	sor.u32 s1, s0  }
0xbb: {  	s0 =	sadd.s32 $0x8F2B, s0  }
0xbc: {  	[sflag:s0] =	ssyncadd.remote.s32 $0x1  }
0xbd: {  	_ =	sfence.sel $0xFFFF  }
0xbe: {  	[dreg:$0x0] =	wrdreg $0xFFFFFFFF;
	(pc) =	sbr.abs _section_cstart, $3  }
0xbf: {  	[dreg:$0x1] =	wrdreg $0xFFFFFFFF  }
0xc0: {  	_ =	task.clear_ibuf [dreg:s6], $0x2FFFF;
	_ =	strace $0x9FFFFFFF  }
0xc1: {  	(tm) =	ssettm $0x7FFFFFFF  }
tec
execute0_lowered:
.L_overlay_start_1:
0x0: {  	(tag) =	ssettag $0x1  }
0x1: {  	s1 =	srdreg.scid;
	s0 =	stileid.u32  }
0x2: {  	s28 =	sand.u32 $0x1, s1;
	s26 =	sshll.u32 s0, $0x1  }
0x3: {  	s30 =	sor.u32 s28, s26  }
0x4: {  	s3 =	smul.u32 $0x140, s30  }
0x5: {  	s29 =	rddreg [dreg:$0x0]  }
0x6: {  	s2 =	simm.s32 $0x0;
	s4 =	sadd.s32 s3, s29  }
0x7: {  	[smem:$0x7FF] =	sst s2;
	s3 =	sadd.s32 $0xB600, s4  }
0x8: {  	_ =	strace $0x80000056;
	[dreg:$0x2] =	wrdreg s3  }
0x9: {  	s3 =	simm.s32 $0x2;
	s5 =	rddreg [dreg:$0x2]  }
0xa: {  	[tilespmem:s2], [sflag:$0x2] =	stream.linear.gather [hbm4b:s5+s2], $0xA00, $0x38;
	[tilespmem:$0xF400] =	vst v63  }
0xb: {  	_ =	swait.ge [sflag:s3], $0xA00  }
0xc: {  	[sflag:s3] =	ssyncset.done $0x0  }
0xd: {  	s4 =	sadd.s32 $0xDE00, s4;
	s5 =	simm.s32 $0xA00;
	[sflag:s3] =	ssyncadd.s32 $0xFFFFF600  }
0xe: {  	[tilespmem:s5], [sflag:$0x2] =	stream.linear.gather [hbm4b:s4+s2], $0xA00, $0x38;
	[tilespmem:$0xF400] =	vst v63  }
0xf: {  	_ =	swait.ge [sflag:s3], $0xA00  }
0x10: {  	s7 =	simm.s32 $0x80;
	s8 =	simm.s32 $0x1400;
	[sflag:s3] =	ssyncset.done $0x0  }
0x11: {  	s9 =	simm.s32 $0x1;
	s6 =	sadd.s32 $0x10600, s29;
	[sflag:s3] =	ssyncadd.s32 $0xFFFFF600  }
0x12: {  	[tilespmem:s8], [sflag:$0x1] =	stream.indirect.gather [hbm4b:s6+s7], $0x80, s2, s7, $0xb8;
	[tilespmem:$0xF400] =	vst v63  }
0x13: {  	_ =	swait.ge [sflag:s9], $0x4000  }
0x14: {  	[sflag:s9] =	ssyncset.done $0x0  }
0x15: {  	[sflag:s9] =	ssyncadd.s32 $0xFFFFC000  }
0x16: {  	[tilespmem:s8], [sflag:$0x1] =	stream.indirect.gather [hbm4b:s6+s7], $0x80, s7, s7, $0xb8;
	[tilespmem:$0xF400] =	vst v63  }
0x17: {  	_ =	swait.ge [sflag:s9], $0x4000  }
0x18: {  	[sflag:s9] =	ssyncset.done $0x0  }
0x19: {  	s10 =	simm.s32 $0x100;
	[sflag:s9] =	ssyncadd.s32 $0xFFFFC000  }
0x1a: {  	[tilespmem:s8], [sflag:$0x1] =	stream.indirect.gather [hbm4b:s6+s7], $0x80, s10, s7, $0xb8;
	[tilespmem:$0xF400] =	vst v63  }
0x1b: {  	_ =	swait.ge [sflag:s9], $0x4000  }
0x1c: {  	[sflag:s9] =	ssyncset.done $0x0  }
0x1d: {  	s11 =	simm.s32 $0x180;
	[sflag:s9] =	ssyncadd.s32 $0xFFFFC000  }
0x1e: {  	[tilespmem:s8], [sflag:$0x1] =	stream.indirect.gather [hbm4b:s6+s7], $0x80, s11, s7, $0xb8;
	[tilespmem:$0xF400] =	vst v63  }
0x1f: {  	_ =	swait.ge [sflag:s9], $0x4000  }
0x20: {  	[sflag:s9] =	ssyncset.done $0x0  }
0x21: {  	s12 =	simm.s32 $0x200;
	[sflag:s9] =	ssyncadd.s32 $0xFFFFC000  }
0x22: {  	[tilespmem:s8], [sflag:$0x1] =	stream.indirect.gather [hbm4b:s6+s7], $0x80, s12, s7, $0xb8;
	[tilespmem:$0xF400] =	vst v63  }
0x23: {  	_ =	swait.ge [sflag:s9], $0x4000  }
0x24: {  	[sflag:s9] =	ssyncset.done $0x0  }
0x25: {  	s13 =	simm.s32 $0x280;
	[sflag:s9] =	ssyncadd.s32 $0xFFFFC000  }
0x26: {  	[tilespmem:s8], [sflag:$0x1] =	stream.indirect.gather [hbm4b:s6+s7], $0x80, s13, s7, $0xb8;
	[tilespmem:$0xF400] =	vst v63  }
0x27: {  	_ =	swait.ge [sflag:s9], $0x4000  }
0x28: {  	[sflag:s9] =	ssyncset.done $0x0  }
0x29: {  	s14 =	simm.s32 $0x300;
	[sflag:s9] =	ssyncadd.s32 $0xFFFFC000  }
0x2a: {  	[tilespmem:s8], [sflag:$0x1] =	stream.indirect.gather [hbm4b:s6+s7], $0x80, s14, s7, $0xb8;
	[tilespmem:$0xF400] =	vst v63  }
0x2b: {  	_ =	swait.ge [sflag:s9], $0x4000  }
0x2c: {  	[sflag:s9] =	ssyncset.done $0x0  }
0x2d: {  	s15 =	simm.s32 $0x380;
	[sflag:s9] =	ssyncadd.s32 $0xFFFFC000  }
0x2e: {  	[tilespmem:s8], [sflag:$0x1] =	stream.indirect.gather [hbm4b:s6+s7], $0x80, s15, s7, $0xb8;
	[tilespmem:$0xF400] =	vst v63  }
0x2f: {  	_ =	swait.ge [sflag:s9], $0x4000  }
0x30: {  	[sflag:s9] =	ssyncset.done $0x0  }
0x31: {  	s16 =	simm.s32 $0x400;
	[sflag:s9] =	ssyncadd.s32 $0xFFFFC000  }
0x32: {  	[tilespmem:s8], [sflag:$0x1] =	stream.indirect.gather [hbm4b:s6+s7], $0x80, s16, s7, $0xb8;
	[tilespmem:$0xF400] =	vst v63  }
0x33: {  	_ =	swait.ge [sflag:s9], $0x4000  }
0x34: {  	[sflag:s9] =	ssyncset.done $0x0  }
0x35: {  	s17 =	simm.s32 $0x480;
	[sflag:s9] =	ssyncadd.s32 $0xFFFFC000  }
0x36: {  	[tilespmem:s8], [sflag:$0x1] =	stream.indirect.gather [hbm4b:s6+s7], $0x80, s17, s7, $0xb8;
	[tilespmem:$0xF400] =	vst v63  }
0x37: {  	_ =	swait.ge [sflag:s9], $0x4000  }
0x38: {  	[sflag:s9] =	ssyncset.done $0x0  }
0x39: {  	s18 =	simm.s32 $0x500;
	[sflag:s9] =	ssyncadd.s32 $0xFFFFC000  }
0x3a: {  	[tilespmem:s8], [sflag:$0x1] =	stream.indirect.gather [hbm4b:s6+s7], $0x80, s18, s7, $0xb8;
	[tilespmem:$0xF400] =	vst v63  }
0x3b: {  	_ =	swait.ge [sflag:s9], $0x4000  }
0x3c: {  	[sflag:s9] =	ssyncset.done $0x0  }
0x3d: {  	s19 =	simm.s32 $0x580;
	[sflag:s9] =	ssyncadd.s32 $0xFFFFC000  }
0x3e: {  	[tilespmem:s8], [sflag:$0x1] =	stream.indirect.gather [hbm4b:s6+s7], $0x80, s19, s7, $0xb8;
	[tilespmem:$0xF400] =	vst v63  }
0x3f: {  	_ =	swait.ge [sflag:s9], $0x4000  }
0x40: {  	[sflag:s9] =	ssyncset.done $0x0  }
0x41: {  	s20 =	simm.s32 $0x600;
	[sflag:s9] =	ssyncadd.s32 $0xFFFFC000  }
0x42: {  	[tilespmem:s8], [sflag:$0x1] =	stream.indirect.gather [hbm4b:s6+s7], $0x80, s20, s7, $0xb8;
	[tilespmem:$0xF400] =	vst v63  }
0x43: {  	_ =	swait.ge [sflag:s9], $0x4000  }
0x44: {  	[sflag:s9] =	ssyncset.done $0x0  }
0x45: {  	s21 =	simm.s32 $0x680;
	[sflag:s9] =	ssyncadd.s32 $0xFFFFC000  }
0x46: {  	[tilespmem:s8], [sflag:$0x1] =	stream.indirect.gather [hbm4b:s6+s7], $0x80, s21, s7, $0xb8;
	[tilespmem:$0xF400] =	vst v63  }
0x47: {  	_ =	swait.ge [sflag:s9], $0x4000  }
0x48: {  	[sflag:s9] =	ssyncset.done $0x0  }
0x49: {  	s22 =	simm.s32 $0x700;
	[sflag:s9] =	ssyncadd.s32 $0xFFFFC000  }
0x4a: {  	[tilespmem:s8], [sflag:$0x1] =	stream.indirect.gather [hbm4b:s6+s7], $0x80, s22, s7, $0xb8;
	[tilespmem:$0xF400] =	vst v63  }
0x4b: {  	_ =	swait.ge [sflag:s9], $0x4000  }
0x4c: {  	[sflag:s9] =	ssyncset.done $0x0  }
0x4d: {  	s23 =	simm.s32 $0x780;
	[sflag:s9] =	ssyncadd.s32 $0xFFFFC000  }
0x4e: {  	[tilespmem:s8], [sflag:$0x1] =	stream.indirect.gather [hbm4b:s6+s7], $0x80, s23, s7, $0xb8;
	[tilespmem:$0xF400] =	vst v63  }
0x4f: {  	_ =	swait.ge [sflag:s9], $0x4000  }
0x50: {  	[sflag:s9] =	ssyncset.done $0x0  }
0x51: {  	s24 =	simm.s32 $0x800;
	[sflag:s9] =	ssyncadd.s32 $0xFFFFC000  }
0x52: {  	[tilespmem:s8], [sflag:$0x1] =	stream.indirect.gather [hbm4b:s6+s7], $0x80, s24, s7, $0xb8;
	[tilespmem:$0xF400] =	vst v63  }
0x53: {  	_ =	swait.ge [sflag:s9], $0x4000  }
0x54: {  	[sflag:s9] =	ssyncset.done $0x0  }
0x55: {  	s25 =	simm.s32 $0x880;
	[sflag:s9] =	ssyncadd.s32 $0xFFFFC000  }
0x56: {  	[tilespmem:s8], [sflag:$0x1] =	stream.indirect.gather [hbm4b:s6+s7], $0x80, s25, s7, $0xb8;
	[tilespmem:$0xF400] =	vst v63  }
0x57: {  	s30 =	smul.u32 $0x1400, s30;
	_ =	swait.ge [sflag:s9], $0x4000  }
0x58: {  	s26 =	simm.s32 $0x900;
	s31 =	ssub.s32 $0x2, s28;
	[sflag:s9] =	ssyncset.done $0x0  }
0x59: {  	s29 =	sadd.s32 s30, s29;
	s30 =	sshrl.u32 s31, $0x1;
	[sflag:s9] =	ssyncadd.s32 $0xFFFFC000  }
0x5a: {  	[tilespmem:s8], [sflag:$0x1] =	stream.indirect.gather [hbm4b:s6+s7], $0x80, s26, s7, $0xb8;
	[tilespmem:$0xF400] =	vst v63  }
0x5b: {  	s30 =	ssub.s32 s31, s30;
	_ =	swait.ge [sflag:s9], $0x4000  }
0x5c: {  	s31 =	smax.u32 s30, $0x1;
	[sflag:s9] =	ssyncset.done $0x0  }
0x5d: {  	s28 =	simm.s32 $0x980;
	p0 =	sne.s32 s31, $0x1;
	[sflag:s9] =	ssyncadd.s32 $0xFFFFC000  }
0x5e: {  	[tilespmem:s8], [sflag:$0x1] =	stream.indirect.gather [hbm4b:s6+s7], $0x80, s28, s7, $0xb8;
	[tilespmem:$0xF400] =	vst v63  }
.Ltmp0:
0x5f: {  	_ =	swait.ge [sflag:s9], $0x4000;
	(pc) =	sbr.rel @!p0 .LBB2_2-.Ltmp0, $4  }
0x60: {  	[sflag:s9] =	ssyncset.done $0x0  }
0x61: {  	s29 =	sadd.s32 $0x38600, s29;
	s30 =	simm.s32 $0x5400;
	[sflag:s9] =	ssyncadd.s32 $0xFFFFC000  }
0x62: {  	[hbm4b:s29+s2] =	stream.linear.scatter [tilespmem:s30], [sflag:$0x2], $0xA000, $0x38;
	[tilespmem:$0xF400] =	vst v63  }
0x63: {  	s31 =	sadd.s32 $0xFFFFFFFF, s31;
	_ =	swait.ge [sflag:s3], $0xA000  }
.LBB2_1:
0x64: {  	[sflag:s3] =	ssyncset.done $0x0  }
0x65: {  	s1 =	rddreg [dreg:$0x2];
	[sflag:s3] =	ssyncadd.s32 $0xFFFF6000  }
0x66: {  	[tilespmem:s2], [sflag:$0x2] =	stream.linear.gather [hbm4b:s1+s2], $0xA00, $0x38;
	[tilespmem:$0xF400] =	vst v63  }
0x67: {  	_ =	swait.ge [sflag:s3], $0xA00  }
0x68: {  	[sflag:s3] =	ssyncset.done $0x0  }
0x69: {  	[sflag:s3] =	ssyncadd.s32 $0xFFFFF600  }
0x6a: {  	[tilespmem:s5], [sflag:$0x2] =	stream.linear.gather [hbm4b:s4+s2], $0xA00, $0x38;
	[tilespmem:$0xF400] =	vst v63  }
0x6b: {  	_ =	swait.ge [sflag:s3], $0xA00  }
0x6c: {  	[sflag:s3] =	ssyncset.done $0x0  }
0x6d: {  	[sflag:s3] =	ssyncadd.s32 $0xFFFFF600  }
0x6e: {  	[tilespmem:s8], [sflag:$0x1] =	stream.indirect.gather [hbm4b:s6+s7], $0x80, s2, s7, $0xb8;
	[tilespmem:$0xF400] =	vst v63  }
0x6f: {  	_ =	swait.ge [sflag:s9], $0x4000  }
0x70: {  	[sflag:s9] =	ssyncset.done $0x0  }
0x71: {  	[sflag:s9] =	ssyncadd.s32 $0xFFFFC000  }
0x72: {  	[tilespmem:s8], [sflag:$0x1] =	stream.indirect.gather [hbm4b:s6+s7], $0x80, s7, s7, $0xb8;
	[tilespmem:$0xF400] =	vst v63  }
0x73: {  	_ =	swait.ge [sflag:s9], $0x4000  }
0x74: {  	[sflag:s9] =	ssyncset.done $0x0  }
0x75: {  	[sflag:s9] =	ssyncadd.s32 $0xFFFFC000  }
0x76: {  	[tilespmem:s8], [sflag:$0x1] =	stream.indirect.gather [hbm4b:s6+s7], $0x80, s10, s7, $0xb8;
	[tilespmem:$0xF400] =	vst v63  }
0x77: {  	_ =	swait.ge [sflag:s9], $0x4000  }
0x78: {  	[sflag:s9] =	ssyncset.done $0x0  }
0x79: {  	[sflag:s9] =	ssyncadd.s32 $0xFFFFC000  }
0x7a: {  	[tilespmem:s8], [sflag:$0x1] =	stream.indirect.gather [hbm4b:s6+s7], $0x80, s11, s7, $0xb8;
	[tilespmem:$0xF400] =	vst v63  }
0x7b: {  	_ =	swait.ge [sflag:s9], $0x4000  }
0x7c: {  	[sflag:s9] =	ssyncset.done $0x0  }
0x7d: {  	[sflag:s9] =	ssyncadd.s32 $0xFFFFC000  }
0x7e: {  	[tilespmem:s8], [sflag:$0x1] =	stream.indirect.gather [hbm4b:s6+s7], $0x80, s12, s7, $0xb8;
	[tilespmem:$0xF400] =	vst v63  }
0x7f: {  	_ =	swait.ge [sflag:s9], $0x4000  }
0x80: {  	[sflag:s9] =	ssyncset.done $0x0  }
0x81: {  	[sflag:s9] =	ssyncadd.s32 $0xFFFFC000  }
0x82: {  	[tilespmem:s8], [sflag:$0x1] =	stream.indirect.gather [hbm4b:s6+s7], $0x80, s13, s7, $0xb8;
	[tilespmem:$0xF400] =	vst v63  }
0x83: {  	_ =	swait.ge [sflag:s9], $0x4000  }
0x84: {  	[sflag:s9] =	ssyncset.done $0x0  }
0x85: {  	[sflag:s9] =	ssyncadd.s32 $0xFFFFC000  }
0x86: {  	[tilespmem:s8], [sflag:$0x1] =	stream.indirect.gather [hbm4b:s6+s7], $0x80, s14, s7, $0xb8;
	[tilespmem:$0xF400] =	vst v63  }
0x87: {  	_ =	swait.ge [sflag:s9], $0x4000  }
0x88: {  	[sflag:s9] =	ssyncset.done $0x0  }
0x89: {  	[sflag:s9] =	ssyncadd.s32 $0xFFFFC000  }
0x8a: {  	[tilespmem:s8], [sflag:$0x1] =	stream.indirect.gather [hbm4b:s6+s7], $0x80, s15, s7, $0xb8;
	[tilespmem:$0xF400] =	vst v63  }
0x8b: {  	_ =	swait.ge [sflag:s9], $0x4000  }
0x8c: {  	[sflag:s9] =	ssyncset.done $0x0  }
0x8d: {  	[sflag:s9] =	ssyncadd.s32 $0xFFFFC000  }
0x8e: {  	[tilespmem:s8], [sflag:$0x1] =	stream.indirect.gather [hbm4b:s6+s7], $0x80, s16, s7, $0xb8;
	[tilespmem:$0xF400] =	vst v63  }
0x8f: {  	_ =	swait.ge [sflag:s9], $0x4000  }
0x90: {  	[sflag:s9] =	ssyncset.done $0x0  }
0x91: {  	[sflag:s9] =	ssyncadd.s32 $0xFFFFC000  }
0x92: {  	[tilespmem:s8], [sflag:$0x1] =	stream.indirect.gather [hbm4b:s6+s7], $0x80, s17, s7, $0xb8;
	[tilespmem:$0xF400] =	vst v63  }
0x93: {  	_ =	swait.ge [sflag:s9], $0x4000  }
0x94: {  	[sflag:s9] =	ssyncset.done $0x0  }
0x95: {  	[sflag:s9] =	ssyncadd.s32 $0xFFFFC000  }
0x96: {  	[tilespmem:s8], [sflag:$0x1] =	stream.indirect.gather [hbm4b:s6+s7], $0x80, s18, s7, $0xb8;
	[tilespmem:$0xF400] =	vst v63  }
0x97: {  	_ =	swait.ge [sflag:s9], $0x4000  }
0x98: {  	[sflag:s9] =	ssyncset.done $0x0  }
0x99: {  	[sflag:s9] =	ssyncadd.s32 $0xFFFFC000  }
0x9a: {  	[tilespmem:s8], [sflag:$0x1] =	stream.indirect.gather [hbm4b:s6+s7], $0x80, s19, s7, $0xb8;
	[tilespmem:$0xF400] =	vst v63  }
0x9b: {  	_ =	swait.ge [sflag:s9], $0x4000  }
0x9c: {  	[sflag:s9] =	ssyncset.done $0x0  }
0x9d: {  	[sflag:s9] =	ssyncadd.s32 $0xFFFFC000  }
0x9e: {  	[tilespmem:s8], [sflag:$0x1] =	stream.indirect.gather [hbm4b:s6+s7], $0x80, s20, s7, $0xb8;
	[tilespmem:$0xF400] =	vst v63  }
0x9f: {  	_ =	swait.ge [sflag:s9], $0x4000  }
0xa0: {  	[sflag:s9] =	ssyncset.done $0x0  }
0xa1: {  	[sflag:s9] =	ssyncadd.s32 $0xFFFFC000  }
0xa2: {  	[tilespmem:s8], [sflag:$0x1] =	stream.indirect.gather [hbm4b:s6+s7], $0x80, s21, s7, $0xb8;
	[tilespmem:$0xF400] =	vst v63  }
0xa3: {  	_ =	swait.ge [sflag:s9], $0x4000  }
0xa4: {  	[sflag:s9] =	ssyncset.done $0x0  }
0xa5: {  	[sflag:s9] =	ssyncadd.s32 $0xFFFFC000  }
0xa6: {  	[tilespmem:s8], [sflag:$0x1] =	stream.indirect.gather [hbm4b:s6+s7], $0x80, s22, s7, $0xb8;
	[tilespmem:$0xF400] =	vst v63  }
0xa7: {  	_ =	swait.ge [sflag:s9], $0x4000  }
0xa8: {  	[sflag:s9] =	ssyncset.done $0x0  }
0xa9: {  	[sflag:s9] =	ssyncadd.s32 $0xFFFFC000  }
0xaa: {  	[tilespmem:s8], [sflag:$0x1] =	stream.indirect.gather [hbm4b:s6+s7], $0x80, s23, s7, $0xb8;
	[tilespmem:$0xF400] =	vst v63  }
0xab: {  	_ =	swait.ge [sflag:s9], $0x4000  }
0xac: {  	[sflag:s9] =	ssyncset.done $0x0  }
0xad: {  	[sflag:s9] =	ssyncadd.s32 $0xFFFFC000  }
0xae: {  	[tilespmem:s8], [sflag:$0x1] =	stream.indirect.gather [hbm4b:s6+s7], $0x80, s24, s7, $0xb8;
	[tilespmem:$0xF400] =	vst v63  }
0xaf: {  	_ =	swait.ge [sflag:s9], $0x4000  }
0xb0: {  	[sflag:s9] =	ssyncset.done $0x0  }
0xb1: {  	[sflag:s9] =	ssyncadd.s32 $0xFFFFC000  }
0xb2: {  	[tilespmem:s8], [sflag:$0x1] =	stream.indirect.gather [hbm4b:s6+s7], $0x80, s25, s7, $0xb8;
	[tilespmem:$0xF400] =	vst v63  }
0xb3: {  	_ =	swait.ge [sflag:s9], $0x4000  }
0xb4: {  	[sflag:s9] =	ssyncset.done $0x0  }
0xb5: {  	[sflag:s9] =	ssyncadd.s32 $0xFFFFC000  }
0xb6: {  	[tilespmem:s8], [sflag:$0x1] =	stream.indirect.gather [hbm4b:s6+s7], $0x80, s26, s7, $0xb8;
	[tilespmem:$0xF400] =	vst v63  }
0xb7: {  	_ =	swait.ge [sflag:s9], $0x4000  }
0xb8: {  	[sflag:s9] =	ssyncset.done $0x0  }
0xb9: {  	p0 =	sne.s32 s31, $0x1;
	[sflag:s9] =	ssyncadd.s32 $0xFFFFC000  }
0xba: {  	[tilespmem:s8], [sflag:$0x1] =	stream.indirect.gather [hbm4b:s6+s7], $0x80, s28, s7, $0xb8;
	[tilespmem:$0xF400] =	vst v63  }
.Ltmp1:
0xbb: {  	_ =	swait.ge [sflag:s9], $0x4000;
	(pc) =	sbr.rel @p0 .LBB2_1-.Ltmp1, $4  }
0xbc: {  	[sflag:s9] =	ssyncset.done $0x0  }
0xbd: {  	[sflag:s9] =	ssyncadd.s32 $0xFFFFC000  }
0xbe: {  	[hbm4b:s29+s2] =	stream.linear.scatter [tilespmem:s30], [sflag:$0x2], $0xA000, $0x38;
	[tilespmem:$0xF400] =	vst v63  }
0xbf: {  	s31 =	sadd.s32 $0xFFFFFFFF, s31;
	_ =	swait.ge [sflag:s3], $0xA000  }
.LBB2_2:
0xc0: {  	[sflag:s3] =	ssyncset.done $0x0  }
0xc1: {  	[sflag:s3] =	ssyncadd.s32 $0xFFFF6000  }
0xc2: {  	_ =	sfence.sel $0x180000  }
0xc3: {  	[bflag:$0x0] =	sbarrier.arrive $0xFFFF  }
0xc4: {  	_ =	strace $0x90000056  }
0xc5: {  	[bflag:$0x2] =	sbarrier.arrive $0xFFFF  }
0xc6: {  	p0 =	sne.s32 s0, $0x0;
	s0 =	rddreg [dreg:$0x1]  }
0xc7: {  	s0 =	sadd.s32 @!p0 $0x100000, s0  }
0xc8: {  	[sflag:s0] =	ssyncadd.tile.s32 @!p0 $0x1;
	_ =	shalt  }
.Lfunc_end2:
_tile_overlayer_lowered:
.L_overlay_start_2:
0xc9: {  	(tag) =	ssettag $0x2  }
0xca: {  	s0 =	rddreg [dreg:$0x0];
	s2 =	stileid.u32  }
0xcb: {  	s1 =	rddreg [dreg:$0x1];
	p0 =	sne.s32 s2, $0x0  }
0xcc: {  	s3 =	rddreg [dreg:$0x2];
	[bflag:$0x3] =	sbarrier.arrive $0xFFFF;
	s2 =	simm.s32 @!p0 $0x1C02  }
0xcd: {  	[timem:s3], [sflag:s2] =	dma.local @!p0 [hbm:s0], s1  }
0xce: {  	s0 =	simm.s32 @!p0 $0x2  }
0xcf: {  	_ =	swait.ge @!p0 [sflag:s0], s1  }
0xd0: {  	s1 =	ssub.s32 @!p0 $0x0, s1;
	[sflag:s0] =	ssyncset.done @!p0 $0x0  }
0xd1: {  	[sflag:s0] =	ssyncadd.s32 @!p0 s1  }
0xd2: {  	[bflag:$0x3] =	sbarrier.arrive $0xFFFF  }
0xd3: {  	_ =	shalt  }

</sc_bundles>
